<compile_context>
chip_gen: v7x
topology: tpu7x:2x2x1
jax: 0.10.2.dev20260603
libtpu: 0.0.44.dev20260713+nightly
codegen_flags: <defaults>
</compile_context>

<pallas_src>
import jax
import jax.numpy as jnp
from jax import lax
from jax.experimental import pallas as pl
from jax.experimental.pallas import tpu as pltpu
from jax.experimental.pallas import tpu_sc as plsc

N = 1000000
NUM_BINS = 10
L = 16
NC = 2
NS = 16
NW = NC * NS
VREGS = N // L
VPW = VREGS // NW
REM = VREGS - VPW * NW
CHUNK = VPW * L
NSUB = 3
SUBV = VPW // NSUB
SUB = SUBV * L
PART = NUM_BINS * L
PADPART = 256
ROW = 2 * PADPART


def _bin_and_scatter(cf_part, ac_part, conf, corr, lane):
    corrf = corr.astype(jnp.float32)
    b = (conf * jnp.float32(NUM_BINS)).astype(jnp.int32)
    b = jnp.minimum(b, NUM_BINS - 1)
    lin = b * L + lane
    plsc.addupdate_scatter(cf_part, [lin], conf)
    plsc.addupdate_scatter(ac_part, [lin], corrf)


def _partials_body(conf_hbm, corr_hbm, out_hbm,
                   conf_v0, conf_v1, corr_v0, corr_v1,
                   tailc_v, tailr_v, cf_part, ac_part,
                   sem_c0, sem_r0, sem_c1, sem_r1):
    gid = lax.axis_index("s") * NC + lax.axis_index("c")
    lane = lax.iota(jnp.int32, L)

    for r in range(PADPART // L):
        cf_part[pl.ds(r * L, L)] = jnp.zeros((L,), jnp.float32)
        ac_part[pl.ds(r * L, L)] = jnp.zeros((L,), jnp.float32)

    base = gid * CHUNK
    slots = [(conf_v0, corr_v0, sem_c0, sem_r0),
             (conf_v1, corr_v1, sem_c1, sem_r1)]

    def start(k):
        cv, rv, sc, sr = slots[k % 2]
        off = base + k * SUB
        hc = pltpu.async_copy(conf_hbm.at[pl.ds(off, SUB)], cv, sc)
        hr = pltpu.async_copy(corr_hbm.at[pl.ds(off, SUB)], rv, sr)
        return hc, hr

    pending = start(0)
    for k in range(NSUB):
        cv, rv, _, _ = slots[k % 2]
        hc, hr = pending
        hc.wait()
        hr.wait()
        if k + 1 < NSUB:
            pending = start(k + 1)

        @plsc.parallel_loop(0, SUBV, 1, unroll=16)
        def _it(i):
            off = i * L
            conf = cv[pl.ds(off, L)]
            corr = rv[pl.ds(off, L)]
            _bin_and_scatter(cf_part, ac_part, conf, corr, lane)

    @pl.when(gid < REM)
    def _tail():
        tbase = NW * CHUNK + gid * L
        pltpu.sync_copy(conf_hbm.at[pl.ds(tbase, L)], tailc_v)
        pltpu.sync_copy(corr_hbm.at[pl.ds(tbase, L)], tailr_v)
        _bin_and_scatter(cf_part, ac_part, tailc_v[...], tailr_v[...], lane)

    pltpu.sync_copy(cf_part, out_hbm.at[gid, 0, pl.ds(0, PADPART)])
    pltpu.sync_copy(ac_part, out_hbm.at[gid, 0, pl.ds(PADPART, PADPART)])


_partials_sc = pl.kernel(
    _partials_body,
    out_type=jax.ShapeDtypeStruct((NW, 1, ROW), jnp.float32),
    mesh=plsc.VectorSubcoreMesh(
        core_axis_name="c", subcore_axis_name="s", num_cores=NC),
    compiler_params=pltpu.CompilerParams(needs_layout_passes=False),
    scratch_types=[
        pltpu.VMEM((SUB,), jnp.float32),
        pltpu.VMEM((SUB,), jnp.float32),
        pltpu.VMEM((SUB,), jnp.int32),
        pltpu.VMEM((SUB,), jnp.int32),
        pltpu.VMEM((L,), jnp.float32),
        pltpu.VMEM((L,), jnp.int32),
        pltpu.VMEM((PADPART,), jnp.float32),
        pltpu.VMEM((PADPART,), jnp.float32),
        pltpu.SemaphoreType.DMA,
        pltpu.SemaphoreType.DMA,
        pltpu.SemaphoreType.DMA,
        pltpu.SemaphoreType.DMA,
    ],
)


def _finalize_body(p_ref, o_ref):
    x = p_ref[...][:, 0, :]
    diff = x[:, :PART] - x[:, PADPART:PADPART + PART]
    ece = jnp.float32(0.0)
    for b in range(NUM_BINS):
        ece = ece + jnp.abs(jnp.sum(diff[:, b * L:(b + 1) * L]))
    o_ref[...] = jnp.full((1, 1), ece * jnp.float32(1.0 / N))


_finalize_tc = pl.pallas_call(
    _finalize_body,
    out_shape=jax.ShapeDtypeStruct((1, 1), jnp.float32),
)


def kernel(confidences, correct):
    partials = _partials_sc(confidences, correct)
    return _finalize_tc(partials)[0, 0]

# --- scband reference (transcript-rebuilt; emitter-appended) ---
"""Pipeline reference for scband-calibration-loss-14637248544967 (READ-ONLY COPY).

The authoritative reference and input builder live on the scoring server;
editing this copy changes nothing except your own understanding.
"""

import jax, jax.numpy as jnp
import numpy as np

N = 1000000
NUM_BINS = 10

def setup_inputs(seed: int = 0) -> dict:
    key = jax.random.key(seed)
    k1, k2 = jax.random.split(key)
    confidences = jax.random.uniform(k1, (N,), dtype=jnp.float32)
    correct = jax.random.randint(k2, (N,), 0, 2).astype(jnp.int32)
    return {"confidences": confidences, "correct": correct}

def reference(confidences, correct):
    num_bins = NUM_BINS
    bin_boundaries = jnp.linspace(0.0, 1.0, num_bins + 1)
    n = confidences.shape[0]
    correct_f = correct.astype(jnp.float32)
    ece = jnp.float32(0.0)
    for i in range(num_bins):
        lo = bin_boundaries[i]
        hi = bin_boundaries[i + 1]
        mask = (confidences >= lo) & (confidences < hi)
        maskf = mask.astype(jnp.float32)
        count = maskf.sum()
        safe_count = jnp.maximum(count, 1.0)
        bin_conf = (confidences * maskf).sum() / safe_count
        bin_acc = (correct_f * maskf).sum() / safe_count
        bin_weight = count / n
        ece = ece + jnp.where(count > 0, bin_weight * jnp.abs(bin_conf - bin_acc), 0.0)
    return ece

if __name__ == "__main__":
    import jax
    _d = setup_inputs()
    print(jax.jit(kernel)(*tuple(_d.values())))

</pallas_src>

<mosaic_0001>
#map = affine_map<(d0, d1) -> (0)>
#map1 = affine_map<(d0, d1) -> (0, 0, 0)>
module attributes {stable_mosaic.version = 14 : i64} {
  func.func @_partials_body(%arg0: i32, %arg1: i32, %arg2: memref<1000000xf32, #tpu.memory_space<hbm>>, %arg3: memref<1000000xi32, #tpu.memory_space<hbm>>, %arg4: memref<32x1x512xf32, #tpu.memory_space<hbm>>, %arg5: memref<10416xf32, #tpu.memory_space<vmem>>, %arg6: memref<10416xf32, #tpu.memory_space<vmem>>, %arg7: memref<10416xi32, #tpu.memory_space<vmem>>, %arg8: memref<10416xi32, #tpu.memory_space<vmem>>, %arg9: memref<16xf32, #tpu.memory_space<vmem>>, %arg10: memref<16xi32, #tpu.memory_space<vmem>>, %arg11: memref<256xf32, #tpu.memory_space<vmem>>, %arg12: memref<256xf32, #tpu.memory_space<vmem>>, %arg13: memref<!tpu.dma_semaphore, #tpu.memory_space<semaphore_mem>>, %arg14: memref<!tpu.dma_semaphore, #tpu.memory_space<semaphore_mem>>, %arg15: memref<!tpu.dma_semaphore, #tpu.memory_space<semaphore_mem>>, %arg16: memref<!tpu.dma_semaphore, #tpu.memory_space<semaphore_mem>>) attributes {dimension_semantics = [#tpu.dimension_semantics<core_parallel>, #tpu.dimension_semantics<subcore_parallel>], iteration_bounds = array<i64: 2, 16>, scalar_prefetch = 0 : i64, scratch_operands = 12 : i64, tpu.core_type = #tpu.core_type<sc_vector_subcore>, window_params = [{transform_indices = #map}, {transform_indices = #map}, {transform_indices = #map1}]} {
    %mul3A = arith.constant 2 : i32
    %mul3A_0 = arith.muli %arg1, %mul3A : i32
    %add3A = arith.addi %mul3A_0, %arg0 : i32
    %iota3A = tpu.iota {dimensions = array<i32: 0>} : vector<16xi32>
    %broadcast_in_dim3A = arith.constant 0.000000e+00 : f32
    %broadcast_in_dim3A_1 = vector.broadcast %broadcast_in_dim3A : f32 to vector<16xf32>
    %swap3A = arith.constant 0 : index
    %swap3A_2 = tpu.vector_load %arg11[%swap3A] {strides = array<i32>} : memref<256xf32, #tpu.memory_space<vmem>>, vector<16xf32>,
    tpu.vector_store %arg11[%swap3A], %broadcast_in_dim3A_1 {strides = array<i32>} : memref<256xf32, #tpu.memory_space<vmem>>, vector<16xf32>,
    %broadcast_in_dim3A_3 = arith.constant 0.000000e+00 : f32
    %broadcast_in_dim3A_4 = vector.broadcast %broadcast_in_dim3A_3 : f32 to vector<16xf32>
    %swap3A_5 = arith.constant 0 : index
    %swap3A_6 = tpu.vector_load %arg12[%swap3A_5] {strides = array<i32>} : memref<256xf32, #tpu.memory_space<vmem>>, vector<16xf32>,
    tpu.vector_store %arg12[%swap3A_5], %broadcast_in_dim3A_4 {strides = array<i32>} : memref<256xf32, #tpu.memory_space<vmem>>, vector<16xf32>,
    %broadcast_in_dim3A_7 = arith.constant 0.000000e+00 : f32
    %broadcast_in_dim3A_8 = vector.broadcast %broadcast_in_dim3A_7 : f32 to vector<16xf32>
    %swap3A_9 = arith.constant 16 : index
    %swap3A_10 = tpu.vector_load %arg11[%swap3A_9] {strides = array<i32>} : memref<256xf32, #tpu.memory_space<vmem>>, vector<16xf32>,
    tpu.vector_store %arg11[%swap3A_9], %broadcast_in_dim3A_8 {strides = array<i32>} : memref<256xf32, #tpu.memory_space<vmem>>, vector<16xf32>,
    %broadcast_in_dim3A_11 = arith.constant 0.000000e+00 : f32
    %broadcast_in_dim3A_12 = vector.broadcast %broadcast_in_dim3A_11 : f32 to vector<16xf32>
    %swap3A_13 = arith.constant 16 : index
    %swap3A_14 = tpu.vector_load %arg12[%swap3A_13] {strides = array<i32>} : memref<256xf32, #tpu.memory_space<vmem>>, vector<16xf32>,
    tpu.vector_store %arg12[%swap3A_13], %broadcast_in_dim3A_12 {strides = array<i32>} : memref<256xf32, #tpu.memory_space<vmem>>, vector<16xf32>,
    %broadcast_in_dim3A_15 = arith.constant 0.000000e+00 : f32
    %broadcast_in_dim3A_16 = vector.broadcast %broadcast_in_dim3A_15 : f32 to vector<16xf32>
    %swap3A_17 = arith.constant 32 : index
    %swap3A_18 = tpu.vector_load %arg11[%swap3A_17] {strides = array<i32>} : memref<256xf32, #tpu.memory_space<vmem>>, vector<16xf32>,
    tpu.vector_store %arg11[%swap3A_17], %broadcast_in_dim3A_16 {strides = array<i32>} : memref<256xf32, #tpu.memory_space<vmem>>, vector<16xf32>,
    %broadcast_in_dim3A_19 = arith.constant 0.000000e+00 : f32
    %broadcast_in_dim3A_20 = vector.broadcast %broadcast_in_dim3A_19 : f32 to vector<16xf32>
    %swap3A_21 = arith.constant 32 : index
    %swap3A_22 = tpu.vector_load %arg12[%swap3A_21] {strides = array<i32>} : memref<256xf32, #tpu.memory_space<vmem>>, vector<16xf32>,
    tpu.vector_store %arg12[%swap3A_21], %broadcast_in_dim3A_20 {strides = array<i32>} : memref<256xf32, #tpu.memory_space<vmem>>, vector<16xf32>,
    %broadcast_in_dim3A_23 = arith.constant 0.000000e+00 : f32
    %broadcast_in_dim3A_24 = vector.broadcast %broadcast_in_dim3A_23 : f32 to vector<16xf32>
    %swap3A_25 = arith.constant 48 : index
    %swap3A_26 = tpu.vector_load %arg11[%swap3A_25] {strides = array<i32>} : memref<256xf32, #tpu.memory_space<vmem>>, vector<16xf32>,
    tpu.vector_store %arg11[%swap3A_25], %broadcast_in_dim3A_24 {strides = array<i32>} : memref<256xf32, #tpu.memory_space<vmem>>, vector<16xf32>,
    %broadcast_in_dim3A_27 = arith.constant 0.000000e+00 : f32
    %broadcast_in_dim3A_28 = vector.broadcast %broadcast_in_dim3A_27 : f32 to vector<16xf32>
    %swap3A_29 = arith.constant 48 : index
    %swap3A_30 = tpu.vector_load %arg12[%swap3A_29] {strides = array<i32>} : memref<256xf32, #tpu.memory_space<vmem>>, vector<16xf32>,
    tpu.vector_store %arg12[%swap3A_29], %broadcast_in_dim3A_28 {strides = array<i32>} : memref<256xf32, #tpu.memory_space<vmem>>, vector<16xf32>,
    %broadcast_in_dim3A_31 = arith.constant 0.000000e+00 : f32
    %broadcast_in_dim3A_32 = vector.broadcast %broadcast_in_dim3A_31 : f32 to vector<16xf32>
    %swap3A_33 = arith.constant 64 : index
    %swap3A_34 = tpu.vector_load %arg11[%swap3A_33] {strides = array<i32>} : memref<256xf32, #tpu.memory_space<vmem>>, vector<16xf32>,
    tpu.vector_store %arg11[%swap3A_33], %broadcast_in_dim3A_32 {strides = array<i32>} : memref<256xf32, #tpu.memory_space<vmem>>, vector<16xf32>,
    %broadcast_in_dim3A_35 = arith.constant 0.000000e+00 : f32
    %broadcast_in_dim3A_36 = vector.broadcast %broadcast_in_dim3A_35 : f32 to vector<16xf32>
    %swap3A_37 = arith.constant 64 : index
    %swap3A_38 = tpu.vector_load %arg12[%swap3A_37] {strides = array<i32>} : memref<256xf32, #tpu.memory_space<vmem>>, vector<16xf32>,
    tpu.vector_store %arg12[%swap3A_37], %broadcast_in_dim3A_36 {strides = array<i32>} : memref<256xf32, #tpu.memory_space<vmem>>, vector<16xf32>,
    %broadcast_in_dim3A_39 = arith.constant 0.000000e+00 : f32
    %broadcast_in_dim3A_40 = vector.broadcast %broadcast_in_dim3A_39 : f32 to vector<16xf32>
    %swap3A_41 = arith.constant 80 : index
    %swap3A_42 = tpu.vector_load %arg11[%swap3A_41] {strides = array<i32>} : memref<256xf32, #tpu.memory_space<vmem>>, vector<16xf32>,
    tpu.vector_store %arg11[%swap3A_41], %broadcast_in_dim3A_40 {strides = array<i32>} : memref<256xf32, #tpu.memory_space<vmem>>, vector<16xf32>,
    %broadcast_in_dim3A_43 = arith.constant 0.000000e+00 : f32
    %broadcast_in_dim3A_44 = vector.broadcast %broadcast_in_dim3A_43 : f32 to vector<16xf32>
    %swap3A_45 = arith.constant 80 : index
    %swap3A_46 = tpu.vector_load %arg12[%swap3A_45] {strides = array<i32>} : memref<256xf32, #tpu.memory_space<vmem>>, vector<16xf32>,
    tpu.vector_store %arg12[%swap3A_45], %broadcast_in_dim3A_44 {strides = array<i32>} : memref<256xf32, #tpu.memory_space<vmem>>, vector<16xf32>,
    %broadcast_in_dim3A_47 = arith.constant 0.000000e+00 : f32
    %broadcast_in_dim3A_48 = vector.broadcast %broadcast_in_dim3A_47 : f32 to vector<16xf32>
    %swap3A_49 = arith.constant 96 : index
    %swap3A_50 = tpu.vector_load %arg11[%swap3A_49] {strides = array<i32>} : memref<256xf32, #tpu.memory_space<vmem>>, vector<16xf32>,
    tpu.vector_store %arg11[%swap3A_49], %broadcast_in_dim3A_48 {strides = array<i32>} : memref<256xf32, #tpu.memory_space<vmem>>, vector<16xf32>,
    %broadcast_in_dim3A_51 = arith.constant 0.000000e+00 : f32
    %broadcast_in_dim3A_52 = vector.broadcast %broadcast_in_dim3A_51 : f32 to vector<16xf32>
    %swap3A_53 = arith.constant 96 : index
    %swap3A_54 = tpu.vector_load %arg12[%swap3A_53] {strides = array<i32>} : memref<256xf32, #tpu.memory_space<vmem>>, vector<16xf32>,
    tpu.vector_store %arg12[%swap3A_53], %broadcast_in_dim3A_52 {strides = array<i32>} : memref<256xf32, #tpu.memory_space<vmem>>, vector<16xf32>,
    %broadcast_in_dim3A_55 = arith.constant 0.000000e+00 : f32
    %broadcast_in_dim3A_56 = vector.broadcast %broadcast_in_dim3A_55 : f32 to vector<16xf32>
    %swap3A_57 = arith.constant 112 : index
    %swap3A_58 = tpu.vector_load %arg11[%swap3A_57] {strides = array<i32>} : memref<256xf32, #tpu.memory_space<vmem>>, vector<16xf32>,
    tpu.vector_store %arg11[%swap3A_57], %broadcast_in_dim3A_56 {strides = array<i32>} : memref<256xf32, #tpu.memory_space<vmem>>, vector<16xf32>,
    %broadcast_in_dim3A_59 = arith.constant 0.000000e+00 : f32
    %broadcast_in_dim3A_60 = vector.broadcast %broadcast_in_dim3A_59 : f32 to vector<16xf32>
    %swap3A_61 = arith.constant 112 : index
    %swap3A_62 = tpu.vector_load %arg12[%swap3A_61] {strides = array<i32>} : memref<256xf32, #tpu.memory_space<vmem>>, vector<16xf32>,
    tpu.vector_store %arg12[%swap3A_61], %broadcast_in_dim3A_60 {strides = array<i32>} : memref<256xf32, #tpu.memory_space<vmem>>, vector<16xf32>,
    %broadcast_in_dim3A_63 = arith.constant 0.000000e+00 : f32
    %broadcast_in_dim3A_64 = vector.broadcast %broadcast_in_dim3A_63 : f32 to vector<16xf32>
    %swap3A_65 = arith.constant 128 : index
    %swap3A_66 = tpu.vector_load %arg11[%swap3A_65] {strides = array<i32>} : memref<256xf32, #tpu.memory_space<vmem>>, vector<16xf32>,
    tpu.vector_store %arg11[%swap3A_65], %broadcast_in_dim3A_64 {strides = array<i32>} : memref<256xf32, #tpu.memory_space<vmem>>, vector<16xf32>,
    %broadcast_in_dim3A_67 = arith.constant 0.000000e+00 : f32
    %broadcast_in_dim3A_68 = vector.broadcast %broadcast_in_dim3A_67 : f32 to vector<16xf32>
    %swap3A_69 = arith.constant 128 : index
    %swap3A_70 = tpu.vector_load %arg12[%swap3A_69] {strides = array<i32>} : memref<256xf32, #tpu.memory_space<vmem>>, vector<16xf32>,
    tpu.vector_store %arg12[%swap3A_69], %broadcast_in_dim3A_68 {strides = array<i32>} : memref<256xf32, #tpu.memory_space<vmem>>, vector<16xf32>,
    %broadcast_in_dim3A_71 = arith.constant 0.000000e+00 : f32
    %broadcast_in_dim3A_72 = vector.broadcast %broadcast_in_dim3A_71 : f32 to vector<16xf32>
    %swap3A_73 = arith.constant 144 : index
    %swap3A_74 = tpu.vector_load %arg11[%swap3A_73] {strides = array<i32>} : memref<256xf32, #tpu.memory_space<vmem>>, vector<16xf32>,
    tpu.vector_store %arg11[%swap3A_73], %broadcast_in_dim3A_72 {strides = array<i32>} : memref<256xf32, #tpu.memory_space<vmem>>, vector<16xf32>,
    %broadcast_in_dim3A_75 = arith.constant 0.000000e+00 : f32
    %broadcast_in_dim3A_76 = vector.broadcast %broadcast_in_dim3A_75 : f32 to vector<16xf32>
    %swap3A_77 = arith.constant 144 : index
    %swap3A_78 = tpu.vector_load %arg12[%swap3A_77] {strides = array<i32>} : memref<256xf32, #tpu.memory_space<vmem>>, vector<16xf32>,
    tpu.vector_store %arg12[%swap3A_77], %broadcast_in_dim3A_76 {strides = array<i32>} : memref<256xf32, #tpu.memory_space<vmem>>, vector<16xf32>,
    %broadcast_in_dim3A_79 = arith.constant 0.000000e+00 : f32
    %broadcast_in_dim3A_80 = vector.broadcast %broadcast_in_dim3A_79 : f32 to vector<16xf32>
    %swap3A_81 = arith.constant 160 : index
    %swap3A_82 = tpu.vector_load %arg11[%swap3A_81] {strides = array<i32>} : memref<256xf32, #tpu.memory_space<vmem>>, vector<16xf32>,
    tpu.vector_store %arg11[%swap3A_81], %broadcast_in_dim3A_80 {strides = array<i32>} : memref<256xf32, #tpu.memory_space<vmem>>, vector<16xf32>,
    %broadcast_in_dim3A_83 = arith.constant 0.000000e+00 : f32
    %broadcast_in_dim3A_84 = vector.broadcast %broadcast_in_dim3A_83 : f32 to vector<16xf32>
    %swap3A_85 = arith.constant 160 : index
    %swap3A_86 = tpu.vector_load %arg12[%swap3A_85] {strides = array<i32>} : memref<256xf32, #tpu.memory_space<vmem>>, vector<16xf32>,
    tpu.vector_store %arg12[%swap3A_85], %broadcast_in_dim3A_84 {strides = array<i32>} : memref<256xf32, #tpu.memory_space<vmem>>, vector<16xf32>,
    %broadcast_in_dim3A_87 = arith.constant 0.000000e+00 : f32
    %broadcast_in_dim3A_88 = vector.broadcast %broadcast_in_dim3A_87 : f32 to vector<16xf32>
    %swap3A_89 = arith.constant 176 : index
    %swap3A_90 = tpu.vector_load %arg11[%swap3A_89] {strides = array<i32>} : memref<256xf32, #tpu.memory_space<vmem>>, vector<16xf32>,
    tpu.vector_store %arg11[%swap3A_89], %broadcast_in_dim3A_88 {strides = array<i32>} : memref<256xf32, #tpu.memory_space<vmem>>, vector<16xf32>,
    %broadcast_in_dim3A_91 = arith.constant 0.000000e+00 : f32
    %broadcast_in_dim3A_92 = vector.broadcast %broadcast_in_dim3A_91 : f32 to vector<16xf32>
    %swap3A_93 = arith.constant 176 : index
    %swap3A_94 = tpu.vector_load %arg12[%swap3A_93] {strides = array<i32>} : memref<256xf32, #tpu.memory_space<vmem>>, vector<16xf32>,
    tpu.vector_store %arg12[%swap3A_93], %broadcast_in_dim3A_92 {strides = array<i32>} : memref<256xf32, #tpu.memory_space<vmem>>, vector<16xf32>,
    %broadcast_in_dim3A_95 = arith.constant 0.000000e+00 : f32
    %broadcast_in_dim3A_96 = vector.broadcast %broadcast_in_dim3A_95 : f32 to vector<16xf32>
    %swap3A_97 = arith.constant 192 : index
    %swap3A_98 = tpu.vector_load %arg11[%swap3A_97] {strides = array<i32>} : memref<256xf32, #tpu.memory_space<vmem>>, vector<16xf32>,
    tpu.vector_store %arg11[%swap3A_97], %broadcast_in_dim3A_96 {strides = array<i32>} : memref<256xf32, #tpu.memory_space<vmem>>, vector<16xf32>,
    %broadcast_in_dim3A_99 = arith.constant 0.000000e+00 : f32
    %broadcast_in_dim3A_100 = vector.broadcast %broadcast_in_dim3A_99 : f32 to vector<16xf32>
    %swap3A_101 = arith.constant 192 : index
    %swap3A_102 = tpu.vector_load %arg12[%swap3A_101] {strides = array<i32>} : memref<256xf32, #tpu.memory_space<vmem>>, vector<16xf32>,
    tpu.vector_store %arg12[%swap3A_101], %broadcast_in_dim3A_100 {strides = array<i32>} : memref<256xf32, #tpu.memory_space<vmem>>, vector<16xf32>,
    %broadcast_in_dim3A_103 = arith.constant 0.000000e+00 : f32
    %broadcast_in_dim3A_104 = vector.broadcast %broadcast_in_dim3A_103 : f32 to vector<16xf32>
    %swap3A_105 = arith.constant 208 : index
    %swap3A_106 = tpu.vector_load %arg11[%swap3A_105] {strides = array<i32>} : memref<256xf32, #tpu.memory_space<vmem>>, vector<16xf32>,
    tpu.vector_store %arg11[%swap3A_105], %broadcast_in_dim3A_104 {strides = array<i32>} : memref<256xf32, #tpu.memory_space<vmem>>, vector<16xf32>,
    %broadcast_in_dim3A_107 = arith.constant 0.000000e+00 : f32
    %broadcast_in_dim3A_108 = vector.broadcast %broadcast_in_dim3A_107 : f32 to vector<16xf32>
    %swap3A_109 = arith.constant 208 : index
    %swap3A_110 = tpu.vector_load %arg12[%swap3A_109] {strides = array<i32>} : memref<256xf32, #tpu.memory_space<vmem>>, vector<16xf32>,
    tpu.vector_store %arg12[%swap3A_109], %broadcast_in_dim3A_108 {strides = array<i32>} : memref<256xf32, #tpu.memory_space<vmem>>, vector<16xf32>,
    %broadcast_in_dim3A_111 = arith.constant 0.000000e+00 : f32
    %broadcast_in_dim3A_112 = vector.broadcast %broadcast_in_dim3A_111 : f32 to vector<16xf32>
    %swap3A_113 = arith.constant 224 : index
    %swap3A_114 = tpu.vector_load %arg11[%swap3A_113] {strides = array<i32>} : memref<256xf32, #tpu.memory_space<vmem>>, vector<16xf32>,
    tpu.vector_store %arg11[%swap3A_113], %broadcast_in_dim3A_112 {strides = array<i32>} : memref<256xf32, #tpu.memory_space<vmem>>, vector<16xf32>,
    %broadcast_in_dim3A_115 = arith.constant 0.000000e+00 : f32
    %broadcast_in_dim3A_116 = vector.broadcast %broadcast_in_dim3A_115 : f32 to vector<16xf32>
    %swap3A_117 = arith.constant 224 : index
    %swap3A_118 = tpu.vector_load %arg12[%swap3A_117] {strides = array<i32>} : memref<256xf32, #tpu.memory_space<vmem>>, vector<16xf32>,
    tpu.vector_store %arg12[%swap3A_117], %broadcast_in_dim3A_116 {strides = array<i32>} : memref<256xf32, #tpu.memory_space<vmem>>, vector<16xf32>,
    %broadcast_in_dim3A_119 = arith.constant 0.000000e+00 : f32
    %broadcast_in_dim3A_120 = vector.broadcast %broadcast_in_dim3A_119 : f32 to vector<16xf32>
    %swap3A_121 = arith.constant 240 : index
    %swap3A_122 = tpu.vector_load %arg11[%swap3A_121] {strides = array<i32>} : memref<256xf32, #tpu.memory_space<vmem>>, vector<16xf32>,
    tpu.vector_store %arg11[%swap3A_121], %broadcast_in_dim3A_120 {strides = array<i32>} : memref<256xf32, #tpu.memory_space<vmem>>, vector<16xf32>,
    %broadcast_in_dim3A_123 = arith.constant 0.000000e+00 : f32
    %broadcast_in_dim3A_124 = vector.broadcast %broadcast_in_dim3A_123 : f32 to vector<16xf32>
    %swap3A_125 = arith.constant 240 : index
    %swap3A_126 = tpu.vector_load %arg12[%swap3A_125] {strides = array<i32>} : memref<256xf32, #tpu.memory_space<vmem>>, vector<16xf32>,
    tpu.vector_store %arg12[%swap3A_125], %broadcast_in_dim3A_124 {strides = array<i32>} : memref<256xf32, #tpu.memory_space<vmem>>, vector<16xf32>,
    %mul3A_127 = arith.constant 31248 : i32
    %mul3A_128 = arith.muli %add3A, %mul3A_127 : i32
    %add3A_129 = arith.constant 0 : i32
    %add3A_130 = arith.addi %mul3A_128, %add3A_129 : i32
    %dma_start3A = tpu.memref_slice %arg2[%add3A_130] : memref<1000000xf32, #tpu.memory_space<hbm>> -> memref<10416xf32, #tpu.memory_space<hbm>>
    %dma_start3A_131 = tpu.memref_slice %arg2[%add3A_130] : memref<1000000xf32, #tpu.memory_space<hbm>> -> memref<10416xf32, #tpu.memory_space<hbm>>
    tpu.enqueue_dma source(%dma_start3A_131 : memref<10416xf32, #tpu.memory_space<hbm>>) target(%arg5 : memref<10416xf32, #tpu.memory_space<vmem>>) target_semaphore(%arg13 : memref<!tpu.dma_semaphore, #tpu.memory_space<semaphore_mem>>)
    %dma_start3A_132 = tpu.memref_slice %arg3[%add3A_130] : memref<1000000xi32, #tpu.memory_space<hbm>> -> memref<10416xi32, #tpu.memory_space<hbm>>
    %dma_start3A_133 = tpu.memref_slice %arg3[%add3A_130] : memref<1000000xi32, #tpu.memory_space<hbm>> -> memref<10416xi32, #tpu.memory_space<hbm>>
    tpu.enqueue_dma source(%dma_start3A_133 : memref<10416xi32, #tpu.memory_space<hbm>>) target(%arg7 : memref<10416xi32, #tpu.memory_space<vmem>>) target_semaphore(%arg14 : memref<!tpu.dma_semaphore, #tpu.memory_space<semaphore_mem>>)
    %dma_wait3A = tpu.memref_slice %arg2[%add3A_130] : memref<1000000xf32, #tpu.memory_space<hbm>> -> memref<10416xf32, #tpu.memory_space<hbm>>
    %dma_wait3A_134 = tpu.memref_slice %arg2[%add3A_130] : memref<1000000xf32, #tpu.memory_space<hbm>> -> memref<10416xf32, #tpu.memory_space<hbm>>
    tpu.wait_dma2 semaphore(%arg13 : memref<!tpu.dma_semaphore, #tpu.memory_space<semaphore_mem>>) src(%dma_wait3A_134 : memref<10416xf32, #tpu.memory_space<hbm>>) dst(%arg5 : memref<10416xf32, #tpu.memory_space<vmem>>)
    %dma_wait3A_135 = tpu.memref_slice %arg3[%add3A_130] : memref<1000000xi32, #tpu.memory_space<hbm>> -> memref<10416xi32, #tpu.memory_space<hbm>>
    %dma_wait3A_136 = tpu.memref_slice %arg3[%add3A_130] : memref<1000000xi32, #tpu.memory_space<hbm>> -> memref<10416xi32, #tpu.memory_space<hbm>>
    tpu.wait_dma2 semaphore(%arg14 : memref<!tpu.dma_semaphore, #tpu.memory_space<semaphore_mem>>) src(%dma_wait3A_136 : memref<10416xi32, #tpu.memory_space<hbm>>) dst(%arg7 : memref<10416xi32, #tpu.memory_space<vmem>>)
    %add3A_137 = arith.constant 10416 : i32
    %add3A_138 = arith.addi %mul3A_128, %add3A_137 : i32
    %dma_start3A_139 = tpu.memref_slice %arg2[%add3A_138] : memref<1000000xf32, #tpu.memory_space<hbm>> -> memref<10416xf32, #tpu.memory_space<hbm>>
    %dma_start3A_140 = tpu.memref_slice %arg2[%add3A_138] : memref<1000000xf32, #tpu.memory_space<hbm>> -> memref<10416xf32, #tpu.memory_space<hbm>>
    tpu.enqueue_dma source(%dma_start3A_140 : memref<10416xf32, #tpu.memory_space<hbm>>) target(%arg6 : memref<10416xf32, #tpu.memory_space<vmem>>) target_semaphore(%arg15 : memref<!tpu.dma_semaphore, #tpu.memory_space<semaphore_mem>>)
    %dma_start3A_141 = tpu.memref_slice %arg3[%add3A_138] : memref<1000000xi32, #tpu.memory_space<hbm>> -> memref<10416xi32, #tpu.memory_space<hbm>>
    %dma_start3A_142 = tpu.memref_slice %arg3[%add3A_138] : memref<1000000xi32, #tpu.memory_space<hbm>> -> memref<10416xi32, #tpu.memory_space<hbm>>
    tpu.enqueue_dma source(%dma_start3A_142 : memref<10416xi32, #tpu.memory_space<hbm>>) target(%arg8 : memref<10416xi32, #tpu.memory_space<vmem>>) target_semaphore(%arg16 : memref<!tpu.dma_semaphore, #tpu.memory_space<semaphore_mem>>)
    %parallel_loop3A = arith.constant 0 : i32
    %parallel_loop3A_143 = arith.constant 651 : i32
    %parallel_loop3A_144 = arith.constant 1 : i32
    scf.for %parallel_loop3A_168 = %parallel_loop3A to %parallel_loop3A_143 step %parallel_loop3A_144  : i32 {
      %parallel_loop3A_169 = arith.constant 16 : i32
      %parallel_loop3A_170 = arith.muli %parallel_loop3A_168, %parallel_loop3A_169 : i32
      %parallel_loop3A_171 = arith.index_cast %parallel_loop3A_170 : i32 to index
      %parallel_loop3A_172 = tpu.vector_load %arg5[%parallel_loop3A_171] {strides = array<i32>} : memref<10416xf32, #tpu.memory_space<vmem>>, vector<16xf32>,
      %parallel_loop3A_173 = arith.index_cast %parallel_loop3A_170 : i32 to index
      %parallel_loop3A_174 = tpu.vector_load %arg7[%parallel_loop3A_173] {strides = array<i32>} : memref<10416xi32, #tpu.memory_space<vmem>>, vector<16xi32>,
      %parallel_loop3A_175 = arith.sitofp %parallel_loop3A_174 : vector<16xi32> to vector<16xf32>
      %parallel_loop3A_176 = arith.constant 1.000000e+01 : f32
      %parallel_loop3A_177 = vector.broadcast %parallel_loop3A_176 : f32 to vector<16xf32>
      %parallel_loop3A_178 = arith.mulf %parallel_loop3A_172, %parallel_loop3A_177 : vector<16xf32>
      %parallel_loop3A_179 = arith.fptosi %parallel_loop3A_178 : vector<16xf32> to vector<16xi32>
      %parallel_loop3A_180 = arith.constant 9 : i32
      %parallel_loop3A_181 = vector.broadcast %parallel_loop3A_180 : i32 to vector<16xi32>
      %parallel_loop3A_182 = arith.minsi %parallel_loop3A_179, %parallel_loop3A_181 : vector<16xi32>
      %parallel_loop3A_183 = arith.constant 16 : i32
      %parallel_loop3A_184 = vector.broadcast %parallel_loop3A_183 : i32 to vector<16xi32>
      %parallel_loop3A_185 = arith.muli %parallel_loop3A_182, %parallel_loop3A_184 : vector<16xi32>
      %parallel_loop3A_186 = arith.addi %parallel_loop3A_185, %iota3A : vector<16xi32>
      tpu.vector_store_idx %arg11[%parallel_loop3A_186], %parallel_loop3A_172 {add = true} : memref<256xf32, #tpu.memory_space<vmem>>[vector<16xi32>], vector<16xf32>,
      tpu.vector_store_idx %arg12[%parallel_loop3A_186], %parallel_loop3A_175 {add = true} : memref<256xf32, #tpu.memory_space<vmem>>[vector<16xi32>], vector<16xf32>,
    } {sc.loop_unroll_factor = 16 : i64, sc.parallel_access}
    %dma_wait3A_145 = tpu.memref_slice %arg2[%add3A_138] : memref<1000000xf32, #tpu.memory_space<hbm>> -> memref<10416xf32, #tpu.memory_space<hbm>>
    %dma_wait3A_146 = tpu.memref_slice %arg2[%add3A_138] : memref<1000000xf32, #tpu.memory_space<hbm>> -> memref<10416xf32, #tpu.memory_space<hbm>>
    tpu.wait_dma2 semaphore(%arg15 : memref<!tpu.dma_semaphore, #tpu.memory_space<semaphore_mem>>) src(%dma_wait3A_146 : memref<10416xf32, #tpu.memory_space<hbm>>) dst(%arg6 : memref<10416xf32, #tpu.memory_space<vmem>>)
    %dma_wait3A_147 = tpu.memref_slice %arg3[%add3A_138] : memref<1000000xi32, #tpu.memory_space<hbm>> -> memref<10416xi32, #tpu.memory_space<hbm>>
    %dma_wait3A_148 = tpu.memref_slice %arg3[%add3A_138] : memref<1000000xi32, #tpu.memory_space<hbm>> -> memref<10416xi32, #tpu.memory_space<hbm>>
    tpu.wait_dma2 semaphore(%arg16 : memref<!tpu.dma_semaphore, #tpu.memory_space<semaphore_mem>>) src(%dma_wait3A_148 : memref<10416xi32, #tpu.memory_space<hbm>>) dst(%arg8 : memref<10416xi32, #tpu.memory_space<vmem>>)
    %add3A_149 = arith.constant 20832 : i32
    %add3A_150 = arith.addi %mul3A_128, %add3A_149 : i32
    %dma_start3A_151 = tpu.memref_slice %arg2[%add3A_150] : memref<1000000xf32, #tpu.memory_space<hbm>> -> memref<10416xf32, #tpu.memory_space<hbm>>
    %dma_start3A_152 = tpu.memref_slice %arg2[%add3A_150] : memref<1000000xf32, #tpu.memory_space<hbm>> -> memref<10416xf32, #tpu.memory_space<hbm>>
    tpu.enqueue_dma source(%dma_start3A_152 : memref<10416xf32, #tpu.memory_space<hbm>>) target(%arg5 : memref<10416xf32, #tpu.memory_space<vmem>>) target_semaphore(%arg13 : memref<!tpu.dma_semaphore, #tpu.memory_space<semaphore_mem>>)
    %dma_start3A_153 = tpu.memref_slice %arg3[%add3A_150] : memref<1000000xi32, #tpu.memory_space<hbm>> -> memref<10416xi32, #tpu.memory_space<hbm>>
    %dma_start3A_154 = tpu.memref_slice %arg3[%add3A_150] : memref<1000000xi32, #tpu.memory_space<hbm>> -> memref<10416xi32, #tpu.memory_space<hbm>>
    tpu.enqueue_dma source(%dma_start3A_154 : memref<10416xi32, #tpu.memory_space<hbm>>) target(%arg7 : memref<10416xi32, #tpu.memory_space<vmem>>) target_semaphore(%arg14 : memref<!tpu.dma_semaphore, #tpu.memory_space<semaphore_mem>>)
    %parallel_loop3A_155 = arith.constant 0 : i32
    %parallel_loop3A_156 = arith.constant 651 : i32
    %parallel_loop3A_157 = arith.constant 1 : i32
    scf.for %parallel_loop3A_168 = %parallel_loop3A_155 to %parallel_loop3A_156 step %parallel_loop3A_157  : i32 {
      %parallel_loop3A_169 = arith.constant 16 : i32
      %parallel_loop3A_170 = arith.muli %parallel_loop3A_168, %parallel_loop3A_169 : i32
      %parallel_loop3A_171 = arith.index_cast %parallel_loop3A_170 : i32 to index
      %parallel_loop3A_172 = tpu.vector_load %arg6[%parallel_loop3A_171] {strides = array<i32>} : memref<10416xf32, #tpu.memory_space<vmem>>, vector<16xf32>,
      %parallel_loop3A_173 = arith.index_cast %parallel_loop3A_170 : i32 to index
      %parallel_loop3A_174 = tpu.vector_load %arg8[%parallel_loop3A_173] {strides = array<i32>} : memref<10416xi32, #tpu.memory_space<vmem>>, vector<16xi32>,
      %parallel_loop3A_175 = arith.sitofp %parallel_loop3A_174 : vector<16xi32> to vector<16xf32>
      %parallel_loop3A_176 = arith.constant 1.000000e+01 : f32
      %parallel_loop3A_177 = vector.broadcast %parallel_loop3A_176 : f32 to vector<16xf32>
      %parallel_loop3A_178 = arith.mulf %parallel_loop3A_172, %parallel_loop3A_177 : vector<16xf32>
      %parallel_loop3A_179 = arith.fptosi %parallel_loop3A_178 : vector<16xf32> to vector<16xi32>
      %parallel_loop3A_180 = arith.constant 9 : i32
      %parallel_loop3A_181 = vector.broadcast %parallel_loop3A_180 : i32 to vector<16xi32>
      %parallel_loop3A_182 = arith.minsi %parallel_loop3A_179, %parallel_loop3A_181 : vector<16xi32>
      %parallel_loop3A_183 = arith.constant 16 : i32
      %parallel_loop3A_184 = vector.broadcast %parallel_loop3A_183 : i32 to vector<16xi32>
      %parallel_loop3A_185 = arith.muli %parallel_loop3A_182, %parallel_loop3A_184 : vector<16xi32>
      %parallel_loop3A_186 = arith.addi %parallel_loop3A_185, %iota3A : vector<16xi32>
      tpu.vector_store_idx %arg11[%parallel_loop3A_186], %parallel_loop3A_172 {add = true} : memref<256xf32, #tpu.memory_space<vmem>>[vector<16xi32>], vector<16xf32>,
      tpu.vector_store_idx %arg12[%parallel_loop3A_186], %parallel_loop3A_175 {add = true} : memref<256xf32, #tpu.memory_space<vmem>>[vector<16xi32>], vector<16xf32>,
    } {sc.loop_unroll_factor = 16 : i64, sc.parallel_access}
    %dma_wait3A_158 = tpu.memref_slice %arg2[%add3A_150] : memref<1000000xf32, #tpu.memory_space<hbm>> -> memref<10416xf32, #tpu.memory_space<hbm>>
    %dma_wait3A_159 = tpu.memref_slice %arg2[%add3A_150] : memref<1000000xf32, #tpu.memory_space<hbm>> -> memref<10416xf32, #tpu.memory_space<hbm>>
    tpu.wait_dma2 semaphore(%arg13 : memref<!tpu.dma_semaphore, #tpu.memory_space<semaphore_mem>>) src(%dma_wait3A_159 : memref<10416xf32, #tpu.memory_space<hbm>>) dst(%arg5 : memref<10416xf32, #tpu.memory_space<vmem>>)
    %dma_wait3A_160 = tpu.memref_slice %arg3[%add3A_150] : memref<1000000xi32, #tpu.memory_space<hbm>> -> memref<10416xi32, #tpu.memory_space<hbm>>
    %dma_wait3A_161 = tpu.memref_slice %arg3[%add3A_150] : memref<1000000xi32, #tpu.memory_space<hbm>> -> memref<10416xi32, #tpu.memory_space<hbm>>
    tpu.wait_dma2 semaphore(%arg14 : memref<!tpu.dma_semaphore, #tpu.memory_space<semaphore_mem>>) src(%dma_wait3A_161 : memref<10416xi32, #tpu.memory_space<hbm>>) dst(%arg7 : memref<10416xi32, #tpu.memory_space<vmem>>)
    %parallel_loop3A_162 = arith.constant 0 : i32
    %parallel_loop3A_163 = arith.constant 651 : i32
    %parallel_loop3A_164 = arith.constant 1 : i32
    scf.for %parallel_loop3A_168 = %parallel_loop3A_162 to %parallel_loop3A_163 step %parallel_loop3A_164  : i32 {
      %parallel_loop3A_169 = arith.constant 16 : i32
      %parallel_loop3A_170 = arith.muli %parallel_loop3A_168, %parallel_loop3A_169 : i32
      %parallel_loop3A_171 = arith.index_cast %parallel_loop3A_170 : i32 to index
      %parallel_loop3A_172 = tpu.vector_load %arg5[%parallel_loop3A_171] {strides = array<i32>} : memref<10416xf32, #tpu.memory_space<vmem>>, vector<16xf32>,
      %parallel_loop3A_173 = arith.index_cast %parallel_loop3A_170 : i32 to index
      %parallel_loop3A_174 = tpu.vector_load %arg7[%parallel_loop3A_173] {strides = array<i32>} : memref<10416xi32, #tpu.memory_space<vmem>>, vector<16xi32>,
      %parallel_loop3A_175 = arith.sitofp %parallel_loop3A_174 : vector<16xi32> to vector<16xf32>
      %parallel_loop3A_176 = arith.constant 1.000000e+01 : f32
      %parallel_loop3A_177 = vector.broadcast %parallel_loop3A_176 : f32 to vector<16xf32>
      %parallel_loop3A_178 = arith.mulf %parallel_loop3A_172, %parallel_loop3A_177 : vector<16xf32>
      %parallel_loop3A_179 = arith.fptosi %parallel_loop3A_178 : vector<16xf32> to vector<16xi32>
      %parallel_loop3A_180 = arith.constant 9 : i32
      %parallel_loop3A_181 = vector.broadcast %parallel_loop3A_180 : i32 to vector<16xi32>
      %parallel_loop3A_182 = arith.minsi %parallel_loop3A_179, %parallel_loop3A_181 : vector<16xi32>
      %parallel_loop3A_183 = arith.constant 16 : i32
      %parallel_loop3A_184 = vector.broadcast %parallel_loop3A_183 : i32 to vector<16xi32>
      %parallel_loop3A_185 = arith.muli %parallel_loop3A_182, %parallel_loop3A_184 : vector<16xi32>
      %parallel_loop3A_186 = arith.addi %parallel_loop3A_185, %iota3A : vector<16xi32>
      tpu.vector_store_idx %arg11[%parallel_loop3A_186], %parallel_loop3A_172 {add = true} : memref<256xf32, #tpu.memory_space<vmem>>[vector<16xi32>], vector<16xf32>,
      tpu.vector_store_idx %arg12[%parallel_loop3A_186], %parallel_loop3A_175 {add = true} : memref<256xf32, #tpu.memory_space<vmem>>[vector<16xi32>], vector<16xf32>,
    } {sc.loop_unroll_factor = 16 : i64, sc.parallel_access}
    %lt3A = arith.constant 4 : i32
    %lt3A_165 = arith.cmpi slt, %add3A, %lt3A : i32
    %convert_element_type3A = arith.extui %lt3A_165 : i1 to i32
    %cond3A = arith.constant 0 : i32
    %cond3A_166 = arith.cmpi ne, %convert_element_type3A, %cond3A : i32
    scf.if %cond3A_166 {
      %mul3A_168 = arith.constant 16 : i32
      %mul3A_169 = arith.muli %add3A, %mul3A_168 : i32
      %add3A_170 = arith.constant 999936 : i32
      %add3A_171 = arith.addi %add3A_170, %mul3A_169 : i32
      "tpu.region"() ({
        %run_scoped3A_186 = tpu.sem_alloc : memref<!tpu.dma_semaphore, #tpu.memory_space<semaphore_mem>>
        %dma_start3A_187 = tpu.memref_slice %arg2[%add3A_171] : memref<1000000xf32, #tpu.memory_space<hbm>> -> memref<16xf32, #tpu.memory_space<hbm>>
        %dma_start3A_188 = tpu.memref_slice %arg2[%add3A_171] : memref<1000000xf32, #tpu.memory_space<hbm>> -> memref<16xf32, #tpu.memory_space<hbm>>
        tpu.enqueue_dma source(%dma_start3A_188 : memref<16xf32, #tpu.memory_space<hbm>>) target(%arg9 : memref<16xf32, #tpu.memory_space<vmem>>) target_semaphore(%run_scoped3A_186 : memref<!tpu.dma_semaphore, #tpu.memory_space<semaphore_mem>>)
        %dma_wait3A_189 = tpu.memref_slice %arg2[%add3A_171] : memref<1000000xf32, #tpu.memory_space<hbm>> -> memref<16xf32, #tpu.memory_space<hbm>>
        %dma_wait3A_190 = tpu.memref_slice %arg2[%add3A_171] : memref<1000000xf32, #tpu.memory_space<hbm>> -> memref<16xf32, #tpu.memory_space<hbm>>
        tpu.wait_dma2 semaphore(%run_scoped3A_186 : memref<!tpu.dma_semaphore, #tpu.memory_space<semaphore_mem>>) src(%dma_wait3A_190 : memref<16xf32, #tpu.memory_space<hbm>>) dst(%arg9 : memref<16xf32, #tpu.memory_space<vmem>>)
        tpu.yield
      }) : () -> ()
      "tpu.region"() ({
        %run_scoped3A_186 = tpu.sem_alloc : memref<!tpu.dma_semaphore, #tpu.memory_space<semaphore_mem>>
        %dma_start3A_187 = tpu.memref_slice %arg3[%add3A_171] : memref<1000000xi32, #tpu.memory_space<hbm>> -> memref<16xi32, #tpu.memory_space<hbm>>
        %dma_start3A_188 = tpu.memref_slice %arg3[%add3A_171] : memref<1000000xi32, #tpu.memory_space<hbm>> -> memref<16xi32, #tpu.memory_space<hbm>>
        tpu.enqueue_dma source(%dma_start3A_188 : memref<16xi32, #tpu.memory_space<hbm>>) target(%arg10 : memref<16xi32, #tpu.memory_space<vmem>>) target_semaphore(%run_scoped3A_186 : memref<!tpu.dma_semaphore, #tpu.memory_space<semaphore_mem>>)
        %dma_wait3A_189 = tpu.memref_slice %arg3[%add3A_171] : memref<1000000xi32, #tpu.memory_space<hbm>> -> memref<16xi32, #tpu.memory_space<hbm>>
        %dma_wait3A_190 = tpu.memref_slice %arg3[%add3A_171] : memref<1000000xi32, #tpu.memory_space<hbm>> -> memref<16xi32, #tpu.memory_space<hbm>>
        tpu.wait_dma2 semaphore(%run_scoped3A_186 : memref<!tpu.dma_semaphore, #tpu.memory_space<semaphore_mem>>) src(%dma_wait3A_190 : memref<16xi32, #tpu.memory_space<hbm>>) dst(%arg10 : memref<16xi32, #tpu.memory_space<vmem>>)
        tpu.yield
      }) : () -> ()
      %get3A = arith.constant 0 : index
      %get3A_172 = tpu.vector_load %arg9[%get3A] {strides = array<i32>} : memref<16xf32, #tpu.memory_space<vmem>>, vector<16xf32>,
      %get3A_173 = arith.constant 0 : index
      %get3A_174 = tpu.vector_load %arg10[%get3A_173] {strides = array<i32>} : memref<16xi32, #tpu.memory_space<vmem>>, vector<16xi32>,
      %convert_element_type3A_175 = arith.sitofp %get3A_174 : vector<16xi32> to vector<16xf32>
      %mul3A_176 = arith.constant 1.000000e+01 : f32
      %mul3A_177 = vector.broadcast %mul3A_176 : f32 to vector<16xf32>
      %mul3A_178 = arith.mulf %get3A_172, %mul3A_177 : vector<16xf32>
      %convert_element_type3A_179 = arith.fptosi %mul3A_178 : vector<16xf32> to vector<16xi32>
      %min3A = arith.constant 9 : i32
      %min3A_180 = vector.broadcast %min3A : i32 to vector<16xi32>
      %min3A_181 = arith.minsi %convert_element_type3A_179, %min3A_180 : vector<16xi32>
      %mul3A_182 = arith.constant 16 : i32
      %mul3A_183 = vector.broadcast %mul3A_182 : i32 to vector<16xi32>
      %mul3A_184 = arith.muli %min3A_181, %mul3A_183 : vector<16xi32>
      %add3A_185 = arith.addi %mul3A_184, %iota3A : vector<16xi32>
      tpu.vector_store_idx %arg11[%add3A_185], %get3A_172 {add = true} : memref<256xf32, #tpu.memory_space<vmem>>[vector<16xi32>], vector<16xf32>,
      tpu.vector_store_idx %arg12[%add3A_185], %convert_element_type3A_175 {add = true} : memref<256xf32, #tpu.memory_space<vmem>>[vector<16xi32>], vector<16xf32>,
    } else {
    }
    %run_scoped3A = arith.constant 0 : i32
    "tpu.region"() ({
      %run_scoped3A_168 = tpu.sem_alloc : memref<!tpu.dma_semaphore, #tpu.memory_space<semaphore_mem>>
      %dma_start3A_169 = arith.constant 0 : i32
      %dma_start3A_170 = tpu.memref_slice %arg4[%add3A, %run_scoped3A, %dma_start3A_169] : memref<32x1x512xf32, #tpu.memory_space<hbm>> -> memref<1x1x256xf32, #tpu.memory_space<hbm>>
      %dma_start3A_171 = tpu.memref_squeeze %dma_start3A_170 : memref<1x1x256xf32, #tpu.memory_space<hbm>> -> memref<256xf32, #tpu.memory_space<hbm>>
      %dma_start3A_172 = arith.constant 0 : i32
      %dma_start3A_173 = tpu.memref_slice %arg4[%add3A, %run_scoped3A, %dma_start3A_172] : memref<32x1x512xf32, #tpu.memory_space<hbm>> -> memref<1x1x256xf32, #tpu.memory_space<hbm>>
      %dma_start3A_174 = tpu.memref_squeeze %dma_start3A_173 : memref<1x1x256xf32, #tpu.memory_space<hbm>> -> memref<256xf32, #tpu.memory_space<hbm>>
      tpu.enqueue_dma source(%arg11 : memref<256xf32, #tpu.memory_space<vmem>>) target(%dma_start3A_174 : memref<256xf32, #tpu.memory_space<hbm>>) target_semaphore(%run_scoped3A_168 : memref<!tpu.dma_semaphore, #tpu.memory_space<semaphore_mem>>)
      %dma_wait3A_175 = arith.constant 0 : i32
      %dma_wait3A_176 = tpu.memref_slice %arg4[%add3A, %run_scoped3A, %dma_wait3A_175] : memref<32x1x512xf32, #tpu.memory_space<hbm>> -> memref<1x1x256xf32, #tpu.memory_space<hbm>>
      %dma_wait3A_177 = tpu.memref_squeeze %dma_wait3A_176 : memref<1x1x256xf32, #tpu.memory_space<hbm>> -> memref<256xf32, #tpu.memory_space<hbm>>
      %dma_wait3A_178 = arith.constant 0 : i32
      %dma_wait3A_179 = tpu.memref_slice %arg4[%add3A, %run_scoped3A, %dma_wait3A_178] : memref<32x1x512xf32, #tpu.memory_space<hbm>> -> memref<1x1x256xf32, #tpu.memory_space<hbm>>
      %dma_wait3A_180 = tpu.memref_squeeze %dma_wait3A_179 : memref<1x1x256xf32, #tpu.memory_space<hbm>> -> memref<256xf32, #tpu.memory_space<hbm>>
      tpu.wait_dma2 semaphore(%run_scoped3A_168 : memref<!tpu.dma_semaphore, #tpu.memory_space<semaphore_mem>>) src(%arg11 : memref<256xf32, #tpu.memory_space<vmem>>) dst(%dma_wait3A_180 : memref<256xf32, #tpu.memory_space<hbm>>)
      tpu.yield
    }) : () -> ()
    %run_scoped3A_167 = arith.constant 0 : i32
    "tpu.region"() ({
      %run_scoped3A_168 = tpu.sem_alloc : memref<!tpu.dma_semaphore, #tpu.memory_space<semaphore_mem>>
      %dma_start3A_169 = arith.constant 256 : i32
      %dma_start3A_170 = tpu.memref_slice %arg4[%add3A, %run_scoped3A_167, %dma_start3A_169] : memref<32x1x512xf32, #tpu.memory_space<hbm>> -> memref<1x1x256xf32, #tpu.memory_space<hbm>>
      %dma_start3A_171 = tpu.memref_squeeze %dma_start3A_170 : memref<1x1x256xf32, #tpu.memory_space<hbm>> -> memref<256xf32, #tpu.memory_space<hbm>>
      %dma_start3A_172 = arith.constant 256 : i32
      %dma_start3A_173 = tpu.memref_slice %arg4[%add3A, %run_scoped3A_167, %dma_start3A_172] : memref<32x1x512xf32, #tpu.memory_space<hbm>> -> memref<1x1x256xf32, #tpu.memory_space<hbm>>
      %dma_start3A_174 = tpu.memref_squeeze %dma_start3A_173 : memref<1x1x256xf32, #tpu.memory_space<hbm>> -> memref<256xf32, #tpu.memory_space<hbm>>
      tpu.enqueue_dma source(%arg12 : memref<256xf32, #tpu.memory_space<vmem>>) target(%dma_start3A_174 : memref<256xf32, #tpu.memory_space<hbm>>) target_semaphore(%run_scoped3A_168 : memref<!tpu.dma_semaphore, #tpu.memory_space<semaphore_mem>>)
      %dma_wait3A_175 = arith.constant 256 : i32
      %dma_wait3A_176 = tpu.memref_slice %arg4[%add3A, %run_scoped3A_167, %dma_wait3A_175] : memref<32x1x512xf32, #tpu.memory_space<hbm>> -> memref<1x1x256xf32, #tpu.memory_space<hbm>>
      %dma_wait3A_177 = tpu.memref_squeeze %dma_wait3A_176 : memref<1x1x256xf32, #tpu.memory_space<hbm>> -> memref<256xf32, #tpu.memory_space<hbm>>
      %dma_wait3A_178 = arith.constant 256 : i32
      %dma_wait3A_179 = tpu.memref_slice %arg4[%add3A, %run_scoped3A_167, %dma_wait3A_178] : memref<32x1x512xf32, #tpu.memory_space<hbm>> -> memref<1x1x256xf32, #tpu.memory_space<hbm>>
      %dma_wait3A_180 = tpu.memref_squeeze %dma_wait3A_179 : memref<1x1x256xf32, #tpu.memory_space<hbm>> -> memref<256xf32, #tpu.memory_space<hbm>>
      tpu.wait_dma2 semaphore(%run_scoped3A_168 : memref<!tpu.dma_semaphore, #tpu.memory_space<semaphore_mem>>) src(%arg12 : memref<256xf32, #tpu.memory_space<vmem>>) dst(%dma_wait3A_180 : memref<256xf32, #tpu.memory_space<hbm>>)
      tpu.yield
    }) : () -> ()
    return
  }
}

module attributes {stable_mosaic.version = 14 : i64} {
  func.func @_finalize_body(%arg0: memref<32x1x512xf32, #tpu.memory_space<vmem>>, %arg1: memref<1x1xf32, #tpu.memory_space<vmem>>) attributes {dimension_semantics = [], scalar_prefetch = 0 : i64, scratch_operands = 0 : i64, tpu.core_type = #tpu.core_type<tc>} {
    %get3A = arith.constant 0 : index
    %get3A_0 = arith.constant 0 : index
    %get3A_1 = arith.constant 0 : index
    %get3A_2 = vector.load %arg0[%get3A, %get3A_0, %get3A_1] : memref<32x1x512xf32, #tpu.memory_space<vmem>>, vector<32x1x512xf32>
    %squeeze3A = vector.shape_cast %get3A_2 : vector<32x1x512xf32> to vector<32x512xf32>
    %slice3A = vector.extract_strided_slice %squeeze3A {offsets = [0, 0], sizes = [32, 160], strides = [1, 1]} : vector<32x512xf32> to vector<32x160xf32>
    %slice3A_3 = vector.extract_strided_slice %squeeze3A {offsets = [0, 256], sizes = [32, 160], strides = [1, 1]} : vector<32x512xf32> to vector<32x160xf32>
    %sub3A = arith.subf %slice3A, %slice3A_3 : vector<32x160xf32>
    %slice3A_4 = vector.extract_strided_slice %sub3A {offsets = [0, 0], sizes = [32, 16], strides = [1, 1]} : vector<32x160xf32> to vector<32x16xf32>
    %reduce_sum3A = vector.shape_cast %slice3A_4 : vector<32x16xf32> to vector<1x32x16xf32>
    %reduce_sum3A_5 = arith.constant dense<0.000000e+00> : vector<1xf32>
    %reduce_sum3A_6 = vector.multi_reduction <add>, %reduce_sum3A, %reduce_sum3A_5 [1, 2] : vector<1x32x16xf32> to vector<1xf32>
    %reduce_sum3A_7 = vector.shape_cast %reduce_sum3A_6 : vector<1xf32> to vector<1x1x1xf32>
    %reduce_sum3A_8 = vector.extract %reduce_sum3A_7[0, 0, 0] : f32 from vector<1x1x1xf32>
    %abs3A = math.absf %reduce_sum3A_8 : f32
    %add3A = arith.constant 0.000000e+00 : f32
    %add3A_9 = arith.addf %add3A, %abs3A : f32
    %slice3A_10 = vector.extract_strided_slice %sub3A {offsets = [0, 16], sizes = [32, 16], strides = [1, 1]} : vector<32x160xf32> to vector<32x16xf32>
    %reduce_sum3A_11 = vector.shape_cast %slice3A_10 : vector<32x16xf32> to vector<1x32x16xf32>
    %reduce_sum3A_12 = arith.constant dense<0.000000e+00> : vector<1xf32>
    %reduce_sum3A_13 = vector.multi_reduction <add>, %reduce_sum3A_11, %reduce_sum3A_12 [1, 2] : vector<1x32x16xf32> to vector<1xf32>
    %reduce_sum3A_14 = vector.shape_cast %reduce_sum3A_13 : vector<1xf32> to vector<1x1x1xf32>
    %reduce_sum3A_15 = vector.extract %reduce_sum3A_14[0, 0, 0] : f32 from vector<1x1x1xf32>
    %abs3A_16 = math.absf %reduce_sum3A_15 : f32
    %add3A_17 = arith.addf %add3A_9, %abs3A_16 : f32
    %slice3A_18 = vector.extract_strided_slice %sub3A {offsets = [0, 32], sizes = [32, 16], strides = [1, 1]} : vector<32x160xf32> to vector<32x16xf32>
    %reduce_sum3A_19 = vector.shape_cast %slice3A_18 : vector<32x16xf32> to vector<1x32x16xf32>
    %reduce_sum3A_20 = arith.constant dense<0.000000e+00> : vector<1xf32>
    %reduce_sum3A_21 = vector.multi_reduction <add>, %reduce_sum3A_19, %reduce_sum3A_20 [1, 2] : vector<1x32x16xf32> to vector<1xf32>
    %reduce_sum3A_22 = vector.shape_cast %reduce_sum3A_21 : vector<1xf32> to vector<1x1x1xf32>
    %reduce_sum3A_23 = vector.extract %reduce_sum3A_22[0, 0, 0] : f32 from vector<1x1x1xf32>
    %abs3A_24 = math.absf %reduce_sum3A_23 : f32
    %add3A_25 = arith.addf %add3A_17, %abs3A_24 : f32
    %slice3A_26 = vector.extract_strided_slice %sub3A {offsets = [0, 48], sizes = [32, 16], strides = [1, 1]} : vector<32x160xf32> to vector<32x16xf32>
    %reduce_sum3A_27 = vector.shape_cast %slice3A_26 : vector<32x16xf32> to vector<1x32x16xf32>
    %reduce_sum3A_28 = arith.constant dense<0.000000e+00> : vector<1xf32>
    %reduce_sum3A_29 = vector.multi_reduction <add>, %reduce_sum3A_27, %reduce_sum3A_28 [1, 2] : vector<1x32x16xf32> to vector<1xf32>
    %reduce_sum3A_30 = vector.shape_cast %reduce_sum3A_29 : vector<1xf32> to vector<1x1x1xf32>
    %reduce_sum3A_31 = vector.extract %reduce_sum3A_30[0, 0, 0] : f32 from vector<1x1x1xf32>
    %abs3A_32 = math.absf %reduce_sum3A_31 : f32
    %add3A_33 = arith.addf %add3A_25, %abs3A_32 : f32
    %slice3A_34 = vector.extract_strided_slice %sub3A {offsets = [0, 64], sizes = [32, 16], strides = [1, 1]} : vector<32x160xf32> to vector<32x16xf32>
    %reduce_sum3A_35 = vector.shape_cast %slice3A_34 : vector<32x16xf32> to vector<1x32x16xf32>
    %reduce_sum3A_36 = arith.constant dense<0.000000e+00> : vector<1xf32>
    %reduce_sum3A_37 = vector.multi_reduction <add>, %reduce_sum3A_35, %reduce_sum3A_36 [1, 2] : vector<1x32x16xf32> to vector<1xf32>
    %reduce_sum3A_38 = vector.shape_cast %reduce_sum3A_37 : vector<1xf32> to vector<1x1x1xf32>
    %reduce_sum3A_39 = vector.extract %reduce_sum3A_38[0, 0, 0] : f32 from vector<1x1x1xf32>
    %abs3A_40 = math.absf %reduce_sum3A_39 : f32
    %add3A_41 = arith.addf %add3A_33, %abs3A_40 : f32
    %slice3A_42 = vector.extract_strided_slice %sub3A {offsets = [0, 80], sizes = [32, 16], strides = [1, 1]} : vector<32x160xf32> to vector<32x16xf32>
    %reduce_sum3A_43 = vector.shape_cast %slice3A_42 : vector<32x16xf32> to vector<1x32x16xf32>
    %reduce_sum3A_44 = arith.constant dense<0.000000e+00> : vector<1xf32>
    %reduce_sum3A_45 = vector.multi_reduction <add>, %reduce_sum3A_43, %reduce_sum3A_44 [1, 2] : vector<1x32x16xf32> to vector<1xf32>
    %reduce_sum3A_46 = vector.shape_cast %reduce_sum3A_45 : vector<1xf32> to vector<1x1x1xf32>
    %reduce_sum3A_47 = vector.extract %reduce_sum3A_46[0, 0, 0] : f32 from vector<1x1x1xf32>
    %abs3A_48 = math.absf %reduce_sum3A_47 : f32
    %add3A_49 = arith.addf %add3A_41, %abs3A_48 : f32
    %slice3A_50 = vector.extract_strided_slice %sub3A {offsets = [0, 96], sizes = [32, 16], strides = [1, 1]} : vector<32x160xf32> to vector<32x16xf32>
    %reduce_sum3A_51 = vector.shape_cast %slice3A_50 : vector<32x16xf32> to vector<1x32x16xf32>
    %reduce_sum3A_52 = arith.constant dense<0.000000e+00> : vector<1xf32>
    %reduce_sum3A_53 = vector.multi_reduction <add>, %reduce_sum3A_51, %reduce_sum3A_52 [1, 2] : vector<1x32x16xf32> to vector<1xf32>
    %reduce_sum3A_54 = vector.shape_cast %reduce_sum3A_53 : vector<1xf32> to vector<1x1x1xf32>
    %reduce_sum3A_55 = vector.extract %reduce_sum3A_54[0, 0, 0] : f32 from vector<1x1x1xf32>
    %abs3A_56 = math.absf %reduce_sum3A_55 : f32
    %add3A_57 = arith.addf %add3A_49, %abs3A_56 : f32
    %slice3A_58 = vector.extract_strided_slice %sub3A {offsets = [0, 112], sizes = [32, 16], strides = [1, 1]} : vector<32x160xf32> to vector<32x16xf32>
    %reduce_sum3A_59 = vector.shape_cast %slice3A_58 : vector<32x16xf32> to vector<1x32x16xf32>
    %reduce_sum3A_60 = arith.constant dense<0.000000e+00> : vector<1xf32>
    %reduce_sum3A_61 = vector.multi_reduction <add>, %reduce_sum3A_59, %reduce_sum3A_60 [1, 2] : vector<1x32x16xf32> to vector<1xf32>
    %reduce_sum3A_62 = vector.shape_cast %reduce_sum3A_61 : vector<1xf32> to vector<1x1x1xf32>
    %reduce_sum3A_63 = vector.extract %reduce_sum3A_62[0, 0, 0] : f32 from vector<1x1x1xf32>
    %abs3A_64 = math.absf %reduce_sum3A_63 : f32
    %add3A_65 = arith.addf %add3A_57, %abs3A_64 : f32
    %slice3A_66 = vector.extract_strided_slice %sub3A {offsets = [0, 128], sizes = [32, 16], strides = [1, 1]} : vector<32x160xf32> to vector<32x16xf32>
    %reduce_sum3A_67 = vector.shape_cast %slice3A_66 : vector<32x16xf32> to vector<1x32x16xf32>
    %reduce_sum3A_68 = arith.constant dense<0.000000e+00> : vector<1xf32>
    %reduce_sum3A_69 = vector.multi_reduction <add>, %reduce_sum3A_67, %reduce_sum3A_68 [1, 2] : vector<1x32x16xf32> to vector<1xf32>
    %reduce_sum3A_70 = vector.shape_cast %reduce_sum3A_69 : vector<1xf32> to vector<1x1x1xf32>
    %reduce_sum3A_71 = vector.extract %reduce_sum3A_70[0, 0, 0] : f32 from vector<1x1x1xf32>
    %abs3A_72 = math.absf %reduce_sum3A_71 : f32
    %add3A_73 = arith.addf %add3A_65, %abs3A_72 : f32
    %slice3A_74 = vector.extract_strided_slice %sub3A {offsets = [0, 144], sizes = [32, 16], strides = [1, 1]} : vector<32x160xf32> to vector<32x16xf32>
    %reduce_sum3A_75 = vector.shape_cast %slice3A_74 : vector<32x16xf32> to vector<1x32x16xf32>
    %reduce_sum3A_76 = arith.constant dense<0.000000e+00> : vector<1xf32>
    %reduce_sum3A_77 = vector.multi_reduction <add>, %reduce_sum3A_75, %reduce_sum3A_76 [1, 2] : vector<1x32x16xf32> to vector<1xf32>
    %reduce_sum3A_78 = vector.shape_cast %reduce_sum3A_77 : vector<1xf32> to vector<1x1x1xf32>
    %reduce_sum3A_79 = vector.extract %reduce_sum3A_78[0, 0, 0] : f32 from vector<1x1x1xf32>
    %abs3A_80 = math.absf %reduce_sum3A_79 : f32
    %add3A_81 = arith.addf %add3A_73, %abs3A_80 : f32
    %mul3A = arith.constant 9.99999997E-7 : f32
    %mul3A_82 = arith.mulf %add3A_81, %mul3A : f32
    %broadcast_in_dim3A = vector.broadcast %mul3A_82 : f32 to vector<1x1xf32>
    %swap3A = arith.constant 0 : index
    %swap3A_83 = arith.constant 0 : index
    %swap3A_84 = vector.load %arg1[%swap3A, %swap3A_83] : memref<1x1xf32, #tpu.memory_space<vmem>>, vector<1x1xf32>
    tpu.vector_store %arg1[%swap3A, %swap3A_83], %broadcast_in_dim3A {strides = array<i32>} : memref<1x1xf32, #tpu.memory_space<vmem>>, vector<1x1xf32>,
    return
  }
}

</mosaic_0001>

<sc_bundles>
// kernel: kernel.4.cloned.1.call-start
scs
__scs_entry_jumppad:
0x0: {  	(pc) =	sbr.rel $0x88, $3  }
0x1: {  	(tag) =	ssettag $0x0;
	lr =	simm.s32 $0x1  }
0x2: {  	[smem:$0x3F9F] =	sst lr;
	_ =	strace $0xD0000000  }
0x3: {  	_ = 	snop  }
0x4: {  	_ = 	snop  }
0x5: {  	_ = 	snop  }
0x6: {  	_ = 	snop  }
0x7: {  	_ = 	snop  }
__scs_overlays_trampoline_lowered:
0x8: {  	[smem:$0x3FAE] =	sst s0  }
0x9: {  	[smem:$0x3FAF] =	sst s1  }
0xa: {  	[smem:$0x3FB0] =	sst s2  }
0xb: {  	[smem:$0x3FB1] =	sst s3  }
0xc: {  	[smem:$0x3FB2] =	sst s4  }
0xd: {  	[smem:$0x3FB3] =	sst s5  }
0xe: {  	[smem:$0x3FB4] =	sst s6  }
0xf: {  	[smem:$0x3FB5] =	sst s7  }
0x10: {  	[smem:$0x3FB6] =	sst s8  }
0x11: {  	[smem:$0x3FB7] =	sst s9;
	s0 =	simm.s32 @!p0 $0x0  }
0x12: {  	s1 =	sld [smem:$0x3F9D];
	s0 =	simm.s32 @p0 $0x1  }
0x13: {  	[smem:$0x3FB8] =	sst s0;
	s0 =	simm.s32 @!p1 $0x0  }
0x14: {  	s2 =	sld [smem:$0x3F9C];
	s0 =	simm.s32 @p1 $0x1  }
0x15: {  	[smem:$0x3FB9] =	sst s0;
	s0 =	simm.s32 @!p2 $0x0  }
0x16: {  	s3 =	sld [smem:$0x3FDB];
	s0 =	simm.s32 @p2 $0x1  }
0x17: {  	s4 =	simm.s32 $0x1BF5;
	[smem:$0x3FBB] =	sst s0  }
0x18: {  	s0 =	sld [smem:$0x3F9E];
	_ =	swait.ge [sflag:s4], $0x0  }
0x19: {  	s7 =	sld [smem:$0x3F9F]  }
0x1a: {  	s8 =	sadd.s32 $0xFFFFE003, lr  }
0x1b: {  	s9 =	sadd.s32 $0xFFFFFEF7, lr;
	s5 =	simm.s32 $0xFFFFFFFF;
	p2 =	slt.u32 s8, $0xFFFFF086  }
0x1c: {  	p1 =	slt.u32 s9, $0xF7A;
	s5 =	simm.s32 @!p2 $0x0  }
0x1d: {  	s5 =	simm.s32 @p1 $0x1;
	p0 =	seq.s32 s7, s2  }
0x1e: {  	s7 =	smul.u32 @!p0 $0xF7A, s2;
	p2 =	seq.s32 @!p0 s5, $0x0  }
0x1f: {  	s9 =	smul.u32 $0xF7A, s1;
	s8 =	simm.s32 @!p0 $0x1BF5;
	p2 =	por !p2, p0  }
0x20: {  	[sflag:s8] =	ssyncset.s32 @!p0 $0xFFFFF086;
	s6 =	sadd.s32 @!p0 s3, s7;
	s7 =	simm.s32 @!p0 $0x108  }
0x21: {  	s3 =	sadd.s32 s3, s9;
	s6 =	sadd.s32 @!p0 $0x88, s6;
	s7 =	simm.s32 @p2 $0x1082  }
0x22: {  	[simem:s7], [sflag:s8] =	dma.local @!p0 [hbm:s6], $0xF7A  }
0x23: {  	s9 =	sor.u32 $0xD0000000, s2;
	s6 =	simm.s32 $0x108;
	_ =	swait.ge @!p0 [sflag:s8], $0x0  }
0x24: {  	s3 =	sadd.s32 $0x88, s3;
	s6 =	simm.s32 @!p1 $0x1082;
	[sflag:s4] =	ssyncset.s32 $0xFFFFF086  }
0x25: {  	[simem:s6], [sflag:s4] =	dma.local [hbm:s3], $0xF7A  }
0x26: {  	[smem:$0x3F9F] =	sst s1;
	(tag) =	ssettag s2;
	_ =	strace s9  }
0x27: {  	s1 =	sld [smem:$0x3FAF]  }
0x28: {  	s2 =	sld [smem:$0x3FB0]  }
0x29: {  	s4 =	sld [smem:$0x3FB2]  }
0x2a: {  	p0 =	seq.s32 s5, $0x0;
	s5 =	sld [smem:$0x3FB3]  }
0x2b: {  	s6 =	sld [smem:$0x3FB4]  }
0x2c: {  	s7 =	sld [smem:$0x3FB5]  }
0x2d: {  	s3 =	simm.s32 $0x108;
	s8 =	sld [smem:$0x3FB6]  }
0x2e: {  	s3 =	simm.s32 @!p0 $0x1082;
	s9 =	sld [smem:$0x3FB7]  }
0x2f: {  	lr =	sadd.s32 s0, s3;
	s0 =	sld [smem:$0x3FAE]  }
0x30: {  	s3 =	sld [smem:$0x3FB1]  }
0x31: {  	[smem:$0x3FBA] =	sst s10  }
0x32: {  	s10 =	sld [smem:$0x3FB8];
	_ =	sdelay $0x3  }
0x33: {  	p0 =	seq.s32 s10, $0x1;
	s10 =	sld [smem:$0x3FBA];
	_ =	sdelay $0x3  }
0x34: {  	[smem:$0x3FBA] =	sst s10  }
0x35: {  	s10 =	sld [smem:$0x3FB9];
	_ =	sdelay $0x3  }
0x36: {  	p1 =	seq.s32 s10, $0x1;
	s10 =	sld [smem:$0x3FBA];
	_ =	sdelay $0x3  }
0x37: {  	[smem:$0x3FBA] =	sst s10  }
0x38: {  	s10 =	sld [smem:$0x3FBB]  }
0x39: {  	_ = 	snop;
	(pc) =	sbr.ind lr, $3  }
0x3a: {  	_ = 	snop  }
0x3b: {  	_ = 	snop  }
0x3c: {  	p2 =	seq.s32 s10, $0x1;
	s10 =	sld [smem:$0x3FBA]  }
0x3d: {  	_ =	shalt  }
0x3e: {  	_ =	shalt  }
0x3f: {  	_ =	shalt  }
0x40: {  	_ =	shalt  }
0x41: {  	_ =	shalt  }
0x42: {  	_ =	shalt  }
0x43: {  	_ =	shalt  }
0x44: {  	_ =	shalt  }
0x45: {  	_ =	shalt  }
0x46: {  	_ =	shalt  }
0x47: {  	_ =	shalt  }
0x48: {  	_ =	shalt  }
0x49: {  	_ =	shalt  }
0x4a: {  	_ =	shalt  }
0x4b: {  	_ =	shalt  }
0x4c: {  	_ =	shalt  }
0x4d: {  	_ =	shalt  }
0x4e: {  	_ =	shalt  }
0x4f: {  	_ =	shalt  }
0x50: {  	_ =	shalt  }
0x51: {  	_ =	shalt  }
0x52: {  	_ =	shalt  }
0x53: {  	_ =	shalt  }
0x54: {  	_ =	shalt  }
0x55: {  	_ =	shalt  }
0x56: {  	_ =	shalt  }
0x57: {  	_ =	shalt  }
0x58: {  	_ =	shalt  }
0x59: {  	_ =	shalt  }
0x5a: {  	_ =	shalt  }
0x5b: {  	_ =	shalt  }
0x5c: {  	_ =	shalt  }
0x5d: {  	_ =	shalt  }
0x5e: {  	_ =	shalt  }
0x5f: {  	_ =	shalt  }
0x60: {  	_ =	shalt  }
0x61: {  	_ =	shalt  }
0x62: {  	_ =	shalt  }
0x63: {  	_ =	shalt  }
0x64: {  	_ =	shalt  }
0x65: {  	_ =	shalt  }
0x66: {  	_ =	shalt  }
0x67: {  	_ =	shalt  }
0x68: {  	_ =	shalt  }
0x69: {  	_ =	shalt  }
0x6a: {  	_ =	shalt  }
0x6b: {  	_ =	shalt  }
0x6c: {  	_ =	shalt  }
0x6d: {  	_ =	shalt  }
0x6e: {  	_ =	shalt  }
0x6f: {  	_ =	shalt  }
0x70: {  	_ =	shalt  }
0x71: {  	_ =	shalt  }
0x72: {  	_ =	shalt  }
0x73: {  	_ =	shalt  }
0x74: {  	_ =	shalt  }
0x75: {  	_ =	shalt  }
0x76: {  	_ =	shalt  }
0x77: {  	_ =	shalt  }
0x78: {  	_ =	shalt  }
0x79: {  	_ =	shalt  }
0x7a: {  	_ =	shalt  }
0x7b: {  	_ =	shalt  }
0x7c: {  	_ =	shalt  }
0x7d: {  	_ =	shalt  }
0x7e: {  	_ =	shalt  }
0x7f: {  	_ =	shalt  }
0x80: {  	_ =	shalt  }
0x81: {  	_ =	shalt  }
0x82: {  	_ =	shalt  }
0x83: {  	_ =	shalt  }
0x84: {  	_ =	shalt  }
0x85: {  	_ =	shalt  }
0x86: {  	_ =	shalt  }
0x87: {  	_ =	shalt  }
.Lfunc_end0:
.L_simem_size_0:
called_computation_lowered:
.L_overlay_start_0:
0x88: {  	s2 =	sld [smem:$0x3FD9]  }
0x89: {  	s3 =	sld [smem:$0x3FFE];
	_ =	sdelay $0x1  }
0x8a: {  	s1 =	srdreg.scid  }
0x8b: {  	s0 =	sand.u32 $0x1, s1  }
0x8c: {  	s17 =	sshll.u32 s0, $0xA;
	s2 =	sadd.s32 s3, s2  }
0x8d: {  	s2 =	sadd.s32 s2, s17  }
0x8e: {  	[smem:$0x3FC6] =	sst s2  }
0x8f: {  	_ = 	snop  }
0x90: {  	s2 =	sld [smem:$0x3FC9]  }
0x91: {  	s18 =	sld [smem:$0x3FC8];
	(tm) =	ssettm $0x1  }
0x92: {  	s4 =	sld [smem:$0x3FFB];
	_ =	sdelay $0x3  }
0x93: {  	_ =	strace s4  }
0x94: {  	s4 =	sld [smem:$0x3FFC];
	_ =	sdelay $0x3  }
0x95: {  	_ =	strace s4  }
0x96: {  	s4 =	sld [smem:$0x3FFD];
	_ =	sdelay $0x3  }
0x97: {  	_ =	strace s4  }
0x98: {  	_ =	strace $0x8FFFFFFF  }
0x99: {  	s19 =	sld [smem:$0x3FDB];
	_ =	sdelay $0x1  }
0x9a: {  	s5 =	simm.s32 $_scs_section_size  }
0x9b: {  	s6 =	simm.s32 $_size__tile_overlayer_lowered;
	s7 =	simm.s32 $_tile_overlayer_lowered  }
0x9c: {  	s22 =	simm.s32 $0x1BFF;
	s21 =	sshll.u32 s7, $0x1;
	s4 =	sadd.s32 s5, s19  }
0x9d: {  	s8 =	simm.s32 $0x0;
	s20 =	sshll.u32 s6, $0x1;
	s6 =	sadd.s32 s21, s4  }
0x9e: {  	[timem:s8], [sflag:s22] =	dma.local [hbm:s6], s20  }
0x9f: {  	_ =	swait.ge [sflag:s22], s20  }
0xa0: {  	s5 =	ssub.s32 $0x0, s20;
	[sflag:s22] =	ssyncset.done $0x0  }
0xa1: {  	[sflag:s22] =	ssyncadd.s32 s5;
	_ =	sdelay $0x1  }
0xa2: {  	s23 =	simm.s32 $0x1B8B  }
0xa3: {  	_ =	swait.ge [sflag:s23], $0x1  }
0xa4: {  	[sflag:s23] =	ssyncset.done $0x0  }
0xa5: {  	s25 =	simm.s32 $0x1B8E;
	s24 =	sld [smem:$0x3FFE];
	[sflag:s23] =	ssyncadd.s32 $0xFFFFFFFF  }
0xa6: {  	s26 =	simm.s32 $execute0_lowered;
	[smem:$0x3FD2] =	sst s25  }
0xa7: {  	s6 =	sshll.u32 s26, $0x1;
	_ =	strace $0x80000046;
	[dreg:$0x1] =	wrdreg $0xFFFFFFFF  }
0xa8: {  	s28 =	simm.s32 $_size_execute0_lowered;
	s4 =	sadd.s32 s4, s6;
	[dreg:$0x0] =	wrdreg $0x0  }
0xa9: {  	s6 =	sshll.u32 s28, $0x1;
	[dreg:$0x2] =	wrdreg s4  }
0xaa: {  	[dreg:$0x3] =	wrdreg s6  }
0xab: {  	[dreg:$0x4] =	wrdreg $0xC0  }
0xac: {  	_ =	task [dreg:s8], $0x5FFFF  }
0xad: {  	[dreg:$0x1] =	wrdreg $0xFFFFFFFF  }
0xae: {  	[dreg:$0x0] =	wrdreg $0x60  }
0xaf: {  	[dreg:$0x2] =	wrdreg s2  }
0xb0: {  	[dreg:$0x3] =	wrdreg s18  }
0xb1: {  	[dreg:$0x4] =	wrdreg s24  }
0xb2: {  	[dreg:$0x5] =	wrdreg $0x9  }
0xb3: {  	_ =	task.clear_ibuf [dreg:s8], $0x6FFFF;
	_ =	strace $0x90000046  }
0xb4: {  	s29 =	simm.s32 $0x9;
	_ =	strace $0x80000048  }
0xb5: {  	_ =	swait.ge [sflag:s29], $0x1  }
0xb6: {  	[sflag:s29] =	ssyncadd.s32 $0xFFFFFFFF  }
0xb7: {  	_ =	strace $0x90000048  }
0xb8: {  	_ =	sfence  }
0xb9: {  	s30 =	sld [smem:$0x0];
	_ =	sdelay $0x2  }
0xba: {  	s31 =	sshll.u32 s1, $0xD;
	s1 =	sshrl.u32 s1, $0x2  }
0xbb: {  	s3 =	sand.u32 $0x4000, s31;
	s1 =	sadd.s32 s1, s30  }
0xbc: {  	s0 =	sor.u32 s3, s0;
	s1 =	sshll.u32 s1, $0x11  }
0xbd: {  	s0 =	sor.u32 s1, s0  }
0xbe: {  	s0 =	sadd.s32 $0x8F2B, s0  }
0xbf: {  	[sflag:s0] =	ssyncadd.remote.s32 $0x1  }
0xc0: {  	_ =	sfence.sel $0xFFFF  }
0xc1: {  	[dreg:$0x0] =	wrdreg $0xFFFFFFFF;
	(pc) =	sbr.abs _section_cstart, $3  }
0xc2: {  	[dreg:$0x1] =	wrdreg $0xFFFFFFFF  }
0xc3: {  	_ =	task.clear_ibuf [dreg:s8], $0x2FFFF;
	_ =	strace $0x9FFFFFFF  }
0xc4: {  	(tm) =	ssettm $0x7FFFFFFF  }
0xc5: {  	_ =	shalt  }
tec
execute0_lowered:
.L_overlay_start_1:
0x0: {  	(tag) =	ssettag $0x1  }
0x1: {  	s9 =	rddreg [dreg:$0x0]  }
0x2: {  	s10 =	rddreg [dreg:$0x1]  }
0x3: {  	s1 =	srdreg.scid;
	s0 =	stileid.u32  }
0x4: {  	s3 =	rddreg [dreg:$0x2];
	s2 =	simm.s32 $0x0;
	s15 =	simm.s32 $0x1  }
0x5: {  	s16 =	simm.s32 $0x2;
	s17 =	simm.s32 $0x2900;
	s18 =	simm.s32 $0x7B00  }
0x6: {  	s19 =	simm.s32 $0xA500;
	s20 =	simm.s32 $0xA600;
	s21 =	simm.s32 $0x3  }
0x7: {  	s22 =	simm.s32 $0x4;
	s23 =	simm.s32 $0x5;
	s24 =	simm.s32 $0x0  }
0x8: {  	s4 =	sand.u32 $0x1, s1;
	s5 =	sshll.u32 s0, $0x1;
	s1 =	rddreg [dreg:$0x3]  }
0x9: {  	[smem:$0x7FF] =	sst s2;
	p0 =	sgt.u32 s0, $0x1;
	s6 =	sor.u32 s4, s5  }
0xa: {  	s4 =	ssub.s32 $0x2, s4;
	_ =	strace $0x80000047;
	s5 =	smul.u32 $0x7A10, s6  }
0xb: {  	s7 =	sshll.u32 s6, $0x6;
	s8 =	sshrl.u32 s4, $0x1;
	s14 =	sshll.u32 s6, $0x1  }
0xc: {  	s12 =	sadd.s32 s7, s3;
	s13 =	ssub.s32 s4, s8;
	s30 =	sshrl.u32 s5, $0x3  }
0xd: {  	s14 =	sor.u32 $0x1E840, s14;
	s13 =	smax.u32 s13, $0x1;
	s3 =	sadd.s32 s9, s30  }
0xe: {  	s4 =	sadd.s32 s10, s30;
	s31 =	sadd.s32 $0x516, s30;
	s11 =	sadd.s32 $0xA2C, s30  }
0xf: {  	s5 =	sadd.s32 s9, s31;
	s6 =	sadd.s32 s10, s31;
	s7 =	sadd.s32 s9, s11  }
0x10: {  	s8 =	sadd.s32 s10, s11;
	s9 =	sadd.s32 s9, s14;
	s10 =	sadd.s32 s10, s14  }
0x11: {  	v0 =	vimm.f32 $0.0e+00;
	v1 =	vlaneseq.u32;
	s11 =	sadd.s32 $0x600, s12;
	s12 =	sadd.s32 $0x620, s12;
	s14 =	simm.s32 $0x5200  }
.LBB2_1:
0x12: {  	[tilespmem:$0xA500] =	vst v0  }
0x13: {  	[tilespmem:$0xA600] =	vst v0  }
0x14: {  	[tilespmem:$0xA510] =	vst v0  }
0x15: {  	[tilespmem:$0xA610] =	vst v0  }
0x16: {  	[tilespmem:$0xA520] =	vst v0  }
0x17: {  	[tilespmem:$0xA620] =	vst v0  }
0x18: {  	[tilespmem:$0xA530] =	vst v0  }
0x19: {  	[tilespmem:$0xA630] =	vst v0  }
0x1a: {  	[tilespmem:$0xA540] =	vst v0  }
0x1b: {  	[tilespmem:$0xA640] =	vst v0  }
0x1c: {  	[tilespmem:$0xA550] =	vst v0  }
0x1d: {  	[tilespmem:$0xA650] =	vst v0  }
0x1e: {  	[tilespmem:$0xA560] =	vst v0  }
0x1f: {  	[tilespmem:$0xA660] =	vst v0  }
0x20: {  	[tilespmem:$0xA570] =	vst v0  }
0x21: {  	[tilespmem:$0xA670] =	vst v0  }
0x22: {  	[tilespmem:$0xA580] =	vst v0  }
0x23: {  	[tilespmem:$0xA680] =	vst v0  }
0x24: {  	[tilespmem:$0xA590] =	vst v0  }
0x25: {  	[tilespmem:$0xA690] =	vst v0  }
0x26: {  	[tilespmem:$0xA5A0] =	vst v0  }
0x27: {  	[tilespmem:$0xA6A0] =	vst v0  }
0x28: {  	[tilespmem:$0xA5B0] =	vst v0  }
0x29: {  	[tilespmem:$0xA6B0] =	vst v0  }
0x2a: {  	[tilespmem:$0xA5C0] =	vst v0  }
0x2b: {  	[tilespmem:$0xA6C0] =	vst v0  }
0x2c: {  	[tilespmem:$0xA5D0] =	vst v0  }
0x2d: {  	[tilespmem:$0xA6D0] =	vst v0  }
0x2e: {  	[tilespmem:$0xA5E0] =	vst v0  }
0x2f: {  	[tilespmem:$0xA6E0] =	vst v0  }
0x30: {  	[tilespmem:$0xA5F0] =	vst v0  }
0x31: {  	[tilespmem:$0xA6F0] =	vst v0  }
0x32: {  	[tilespmem:s2], [sflag:$0x1] =	stream.linear.gather [hbm4b:s3+s2], $0x28B0, $0x38;
	[tilespmem:$0xA700] =	vst v63  }
0x33: {  	_ = 	snop  }
0x34: {  	[tilespmem:s14], [sflag:$0x2] =	stream.linear.gather [hbm4b:s4+s2], $0x28B0, $0x38;
	[tilespmem:$0xA700] =	vst v63  }
0x35: {  	_ =	swait.ge [sflag:s15], $0x28B0  }
0x36: {  	[sflag:s15] =	ssyncset.done $0x0  }
0x37: {  	[sflag:s15] =	ssyncadd.s32 $0xFFFFD750  }
0x38: {  	_ =	swait.ge [sflag:s16], $0x28B0  }
0x39: {  	[sflag:s16] =	ssyncset.done $0x0  }
0x3a: {  	[sflag:s16] =	ssyncadd.s32 $0xFFFFD750  }
0x3b: {  	[tilespmem:s17], [sflag:$0x3] =	stream.linear.gather [hbm4b:s5+s2], $0x28B0, $0x38;
	[tilespmem:$0xA700] =	vst v63  }
0x3c: {  	s26 =	simm.s32 $0x80  }
0x3d: {  	[tilespmem:s18], [sflag:$0x4] =	stream.linear.gather [hbm4b:s6+s2], $0x28B0, $0x38;
	[tilespmem:$0xA700] =	vst v63  }
0x3e: {  	v18 =	vld [tilespmem:s26+$0xFFFFFF80]  }
0x3f: {  	v20 =	vld [tilespmem:s26+$0x70]  }
0x40: {  	v23 =	vld [tilespmem:s26+$0x60]  }
0x41: {  	v13 =	vld [tilespmem:s26+$0x50]  }
0x42: {  	v10 =	vld [tilespmem:s26+$0x40]  }
0x43: {  	v8 =	vld [tilespmem:s26+$0x30]  }
0x44: {  	v4 =	vld [tilespmem:s26+$0x20]  }
0x45: {  	v25 =	vld [tilespmem:s26+$0x10]  }
0x46: {  	v9 =	vld [tilespmem:s26+$0x0]  }
0x47: {  	s25 =	simm.s32 $0x5280;
	v17 =	vld [tilespmem:s26+$0xFFFFFFA0]  }
0x48: {  	v32 =	vld [tilespmem:s25+$0x70];
	v5 =	vmul.f32 $1.000000000e+01, v18  }
0x49: {  	v40 =	vld [tilespmem:s25+$0x60];
	v6 =	vmul.f32 $1.000000000e+01, v20;
	v11 =	vmul.f32 $1.000000000e+01, v23  }
0x4a: {  	v14 =	vmul.f32 $1.000000000e+01, v13;
	v15 =	vmul.f32 $1.000000000e+01, v10  }
0x4b: {  	v19 =	vmul.f32 $1.000000000e+01, v8;
	v26 =	vmul.f32 $1.000000000e+01, v4  }
0x4c: {  	v21 =	vmul.f32 $1.000000000e+01, v25;
	v27 =	vmul.f32 $1.000000000e+01, v9  }
0x4d: {  	v39 =	vmul.f32 $1.000000000e+01, v17;
	v32 =	vcvt.s32.f32 v32  }
0x4e: {  	v2 =	vld [tilespmem:s25+$0xFFFFFFB0];
	v63 =	vcvt.s32.f32 v40;
	v5 =	vtrunc.f32 v5  }
0x4f: {  	v3 =	vld [tilespmem:s25+$0xFFFFFFF0];
	v6 =	vtrunc.f32 v6;
	v11 =	vtrunc.f32 v11  }
0x50: {  	v7 =	vld [tilespmem:s26+$0xFFFFFFE0];
	v21 =	vtrunc.f32 v21;
	v29 =	vtrunc.f32 v15  }
0x51: {  	v28 =	vld [tilespmem:s26+$0xFFFFFFD0];
	v31 =	vtrunc.f32 v14;
	v22 =	vcvt.f32.s32 v6  }
0x52: {  	v36 =	vld [tilespmem:s25+$0xFFFFFF80];
	v38 =	vtrunc.f32 v19;
	v12 =	vcvt.f32.s32 v5  }
0x53: {  	v42 =	vld [tilespmem:s25+$0x10];
	v61 =	vtrunc.f32 v39;
	v11 =	vcvt.f32.s32 v11;
	vm1 =	vlt.s32 v22, $0x9  }
0x54: {  	v14 =	vld [tilespmem:s25+$0x20];
	v21 =	vcvt.f32.s32 v21;
	vm0 =	vlt.s32 v12, $0x9;
	v22 =	vnsel vm1, $0x9, v22  }
0x55: {  	v5 =	vld [tilespmem:s26+$0xFFFFFFF0];
	v31 =	vcvt.f32.s32 v31;
	v16 =	vnsel vm0, $0x9, v12;
	v22 =	vshll.u32 v22, $0x4  }
0x56: {  	v60 =	vcvt.f32.s32 v29;
	v12 =	vld [tilespmem:s26+$0xFFFFFFC0];
	v24 =	vshll.u32 v16, $0x4;
	v35 =	vor.u32 v1, v22  }
0x57: {  	vm0 =	vlt.s32 v11, $0x9;
	v16 =	vld [tilespmem:s26+$0xFFFFFF90];
	v30 =	vor.u32 v1, v24;
	v24 =	vmul.f32 $1.000000000e+01, v28  }
0x58: {  	v6 =	vld [tilespmem:s26+$0xFFFFFFB0];
	v29 =	vcvt.s32.f32 v36;
	vm2 =	vlt.s32 v60, $0x9;
	v15 =	vnsel vm0, $0x9, v11  }
0x59: {  	v11 =	vld [tilespmem:s25+$0xFFFFFFC0];
	vm0 =	vlt.s32 v21, $0x9;
	v22 =	vtrunc.f32 v24;
	v24 =	vshll.u32 v15, $0x4  }
0x5a: {  	v21 =	vnsel vm0, $0x9, v21;
	v15 =	vld [tilespmem:s25+$0xFFFFFFE0];
	v22 =	vcvt.f32.s32 v22;
	v34 =	vor.u32 v1, v24  }
0x5b: {  	v37 =	vshll.u32 v21, $0x4;
	v33 =	vmul.f32 $1.000000000e+01, v12;
	v24 =	vmul.f32 $1.000000000e+01, v7;
	[tilespmem:v35+s19+$0x0] =	vst.idx.add.f32.msk $0xffff, v20  }
0x5c: {  	v41 =	vmul.f32 $1.000000000e+01, v16;
	vm0 =	vlt.s32 v22, $0x9;
	[tilespmem:v30+s19+$0x0] =	vst.idx.add.f32.msk $0xffff, v18;
	v18 =	vtrunc.f32 v26  }
0x5d: {  	v26 =	vtrunc.f32 v27;
	v27 =	vld [tilespmem:s25+$0xFFFFFFA0];
	v19 =	vnsel vm0, $0x9, v22;
	vm0 =	vlt.s32 v31, $0x9  }
0x5e: {  	[tilespmem:v30+s20+$0x0] =	vst.idx.add.f32.msk $0xffff, v29;
	v43 =	vshll.u32 v19, $0x4;
	v19 =	vtrunc.f32 v24;
	v24 =	vor.u32 v1, v37  }
0x5f: {  	v29 =	vtrunc.f32 v41;
	v20 =	vor.u32 v1, v43;
	[tilespmem:v34+s19+$0x0] =	vst.idx.add.f32.msk $0xffff, v23;
	v23 =	vcvt.f32.s32 v61  }
0x60: {  	v21 =	vmul.f32 $1.000000000e+01, v5;
	v22 =	vld [tilespmem:s25+$0xFFFFFFD0];
	v30 =	vnsel vm0, $0x9, v31;
	v31 =	vcvt.f32.s32 v29  }
0x61: {  	v62 =	vtrunc.f32 v33;
	[tilespmem:v35+s20+$0x0] =	vst.idx.add.f32.msk $0xffff, v32;
	v32 =	vnsel vm2, $0x9, v60;
	vm0 =	vlt.s32 v23, $0x9  }
0x62: {  	v29 =	vshll.u32 v30, $0x4;
	[tilespmem:v34+s20+$0x0] =	vst.idx.add.f32.msk $0xffff, v63;
	v23 =	vnsel vm0, $0x9, v23;
	vm0 =	vlt.s32 v31, $0x9  }
0x63: {  	v23 =	vshll.u32 v23, $0x4;
	[tilespmem:v24+s19+$0x0] =	vst.idx.add.f32.msk $0xffff, v25;
	v25 =	vnsel vm0, $0x9, v31;
	v31 =	vcvt.f32.s32 v38  }
0x64: {  	v30 =	vcvt.f32.s32 v62;
	v34 =	vcvt.s32.f32 v42;
	[tilespmem:v20+s19+$0x0] =	vst.idx.add.f32.msk $0xffff, v28;
	v28 =	vor.u32 v1, v23  }
0x65: {  	s29 =	simm.s32 $0x0;
	s28 =	simm.s32 $0x5280;
	v33 =	vshll.u32 v25, $0x4;
	v25 =	vmul.f32 $1.000000000e+01, v6;
	v23 =	vld [tilespmem:s25+$0x30];
	vm1 =	vlt.s32 v31, $0x9  }
.LBB2_2:
0x66: {  	s29 =	sadd.s32 $0x10, s29;
	v21 =	vtrunc.f32 v21;
	v26 =	vcvt.f32.s32 v26;
	[tilespmem:v24+s20+$0x0] =	vst.idx.add.f32.msk $0xffff, v34;
	v24 =	vnsel vm1, $0x9, v31;
	s25 =	sadd.s32 $0x100, s25;
	s26 =	sadd.s32 $0x100, s26  }
0x67: {  	v31 =	vor.u32 v1, v33;
	v27 =	vcvt.s32.f32 v27;
	p1 =	slt.u32 s29, $0x270;
	vm0 =	vlt.s32 v30, $0x9;
	v33 =	vld [tilespmem:s28+$0x40]  }
0x68: {  	v22 =	vcvt.s32.f32 v22;
	v24 =	vshll.u32 v24, $0x4;
	v34 =	vld [tilespmem:s28+$0xFFFFFF90];
	v30 =	vnsel vm0, $0x9, v30  }
0x69: {  	v25 =	vtrunc.f32 v25;
	v32 =	vshll.u32 v32, $0x4;
	v29 =	vor.u32 v1, v29;
	v35 =	vld [tilespmem:s28+$0x50]  }
0x6a: {  	vm0 =	vlt.s32 v26, $0x9;
	[tilespmem:v28+s19+$0x0] =	vst.idx.add.f32.msk $0xffff, v17;
	v17 =	vcvt.f32.s32 v25;
	v25 =	vor.u32 v1, v32  }
0x6b: {  	v19 =	vcvt.f32.s32 v19;
	v24 =	vor.u32 v1, v24;
	v26 =	vnsel vm0, $0x9, v26;
	[tilespmem:v28+s20+$0x0] =	vst.idx.add.f32.msk $0xffff, v27  }
0x6c: {  	vm0 =	vlt.s32 v17, $0x9;
	[tilespmem:v20+s20+$0x0] =	vst.idx.add.f32.msk $0xffff, v22;
	v20 =	vcvt.f32.s32 v21;
	v21 =	vshll.u32 v26, $0x4  }
0x6d: {  	vm1 =	vlt.s32 v19, $0x9;
	[tilespmem:v31+s19+$0x0] =	vst.idx.add.f32.msk $0xffff, v16;
	v16 =	vor.u32 v1, v21  }
0x6e: {  	v22 =	vcvt.s32.f32 v33;
	v21 =	vshll.u32 v30, $0x4;
	v26 =	vcvt.s32.f32 v35;
	[tilespmem:v29+s19+$0x0] =	vst.idx.add.f32.msk $0xffff, v13  }
0x6f: {  	v19 =	vnsel vm1, $0x9, v19;
	v13 =	vnsel vm0, $0x9, v17;
	v17 =	vor.u32 v1, v21;
	v21 =	vld [tilespmem:s28+$0x0];
	s28 =	smov.u32 s25  }
0x70: {  	v18 =	vcvt.f32.s32 v18;
	v19 =	vshll.u32 v19, $0x4;
	v13 =	vshll.u32 v13, $0x4;
	[tilespmem:v29+s20+$0x0] =	vst.idx.add.f32.msk $0xffff, v26  }
0x71: {  	vm0 =	vlt.s32 v20, $0x9;
	v26 =	vcvt.s32.f32 v34;
	[tilespmem:v25+s19+$0x0] =	vst.idx.add.f32.msk $0xffff, v10  }
0x72: {  	vm1 =	vlt.s32 v18, $0x9;
	v10 =	vor.u32 v1, v19;
	v19 =	vcvt.s32.f32 v23;
	[tilespmem:v25+s20+$0x0] =	vst.idx.add.f32.msk $0xffff, v22  }
0x73: {  	v18 =	vnsel vm1, $0x9, v18;
	v20 =	vnsel vm0, $0x9, v20;
	[tilespmem:v24+s19+$0x0] =	vst.idx.add.f32.msk $0xffff, v8  }
0x74: {  	v18 =	vshll.u32 v18, $0x4;
	v8 =	vshll.u32 v20, $0x4;
	v20 =	vcvt.s32.f32 v21;
	[tilespmem:v24+s20+$0x0] =	vst.idx.add.f32.msk $0xffff, v19  }
0x75: {  	[tilespmem:v16+s19+$0x0] =	vst.idx.add.f32.msk $0xffff, v9;
	v9 =	vor.u32 v1, v18  }
0x76: {  	[tilespmem:v16+s20+$0x0] =	vst.idx.add.f32.msk $0xffff, v20  }
0x77: {  	[tilespmem:v17+s19+$0x0] =	vst.idx.add.f32.msk $0xffff, v12;
	v12 =	vcvt.s32.f32 v15  }
0x78: {  	v13 =	vor.u32 v1, v13;
	[tilespmem:v10+s19+$0x0] =	vst.idx.add.f32.msk $0xffff, v7;
	v7 =	vor.u32 v1, v8  }
0x79: {  	[tilespmem:v10+s20+$0x0] =	vst.idx.add.f32.msk $0xffff, v12  }
0x7a: {  	v8 =	vcvt.s32.f32 v14;
	[tilespmem:v9+s19+$0x0] =	vst.idx.add.f32.msk $0xffff, v4  }
0x7b: {  	[tilespmem:v31+s20+$0x0] =	vst.idx.add.f32.msk $0xffff, v26  }
0x7c: {  	v3 =	vcvt.s32.f32 v3;
	[tilespmem:v9+s20+$0x0] =	vst.idx.add.f32.msk $0xffff, v8  }
0x7d: {  	[tilespmem:v7+s19+$0x0] =	vst.idx.add.f32.msk $0xffff, v5  }
0x7e: {  	v2 =	vcvt.s32.f32 v2;
	v4 =	vcvt.s32.f32 v11;
	[tilespmem:v7+s20+$0x0] =	vst.idx.add.f32.msk $0xffff, v3  }
0x7f: {  	[tilespmem:v13+s19+$0x0] =	vst.idx.add.f32.msk $0xffff, v6  }
0x80: {  	[tilespmem:v13+s20+$0x0] =	vst.idx.add.f32.msk $0xffff, v2  }
0x81: {  	[tilespmem:v17+s20+$0x0] =	vst.idx.add.f32.msk $0xffff, v4  }
0x82: {  	v2 =	vld [tilespmem:s25+$0xFFFFFFB0]  }
0x83: {  	v3 =	vld [tilespmem:s25+$0xFFFFFFF0]  }
0x84: {  	v18 =	vld [tilespmem:s26+$0xFFFFFF80]  }
0x85: {  	v20 =	vld [tilespmem:s26+$0x70]  }
0x86: {  	v23 =	vld [tilespmem:s26+$0x60]  }
0x87: {  	v13 =	vld [tilespmem:s26+$0x50]  }
0x88: {  	v10 =	vld [tilespmem:s26+$0x40]  }
0x89: {  	v5 =	vmul.f32 $1.000000000e+01, v18;
	v8 =	vld [tilespmem:s26+$0x30]  }
0x8a: {  	v4 =	vld [tilespmem:s26+$0x20];
	v6 =	vmul.f32 $1.000000000e+01, v20  }
0x8b: {  	v5 =	vtrunc.f32 v5;
	v25 =	vld [tilespmem:s26+$0x10];
	v11 =	vmul.f32 $1.000000000e+01, v23  }
0x8c: {  	v9 =	vld [tilespmem:s26+$0x0];
	v14 =	vmul.f32 $1.000000000e+01, v13;
	v6 =	vtrunc.f32 v6  }
0x8d: {  	v12 =	vcvt.f32.s32 v5;
	v5 =	vld [tilespmem:s26+$0xFFFFFFF0];
	v15 =	vmul.f32 $1.000000000e+01, v10  }
0x8e: {  	v11 =	vtrunc.f32 v11;
	v7 =	vld [tilespmem:s26+$0xFFFFFFE0];
	v19 =	vmul.f32 $1.000000000e+01, v8  }
0x8f: {  	vm0 =	vlt.s32 v12, $0x9;
	v11 =	vcvt.f32.s32 v11;
	v28 =	vld [tilespmem:s26+$0xFFFFFFD0];
	v26 =	vmul.f32 $1.000000000e+01, v4  }
0x90: {  	v22 =	vcvt.f32.s32 v6;
	v16 =	vnsel vm0, $0x9, v12;
	v12 =	vld [tilespmem:s26+$0xFFFFFFC0];
	v21 =	vmul.f32 $1.000000000e+01, v25  }
0x91: {  	v24 =	vshll.u32 v16, $0x4;
	vm0 =	vlt.s32 v11, $0x9;
	v6 =	vld [tilespmem:s26+$0xFFFFFFB0];
	v27 =	vmul.f32 $1.000000000e+01, v9  }
0x92: {  	v29 =	vtrunc.f32 v15;
	vm1 =	vlt.s32 v22, $0x9;
	v17 =	vld [tilespmem:s26+$0xFFFFFFA0];
	v21 =	vtrunc.f32 v21  }
0x93: {  	v22 =	vnsel vm1, $0x9, v22;
	v15 =	vnsel vm0, $0x9, v11;
	v16 =	vld [tilespmem:s26+$0xFFFFFF90];
	v21 =	vcvt.f32.s32 v21  }
0x94: {  	v30 =	vor.u32 v1, v24;
	v22 =	vshll.u32 v22, $0x4;
	v11 =	vld [tilespmem:s25+$0xFFFFFFC0];
	v24 =	vmul.f32 $1.000000000e+01, v28  }
0x95: {  	v31 =	vtrunc.f32 v14;
	v35 =	vor.u32 v1, v22;
	vm0 =	vlt.s32 v21, $0x9;
	v32 =	vld [tilespmem:s25+$0x70]  }
0x96: {  	v33 =	vmul.f32 $1.000000000e+01, v12;
	v22 =	vtrunc.f32 v24;
	v14 =	vld [tilespmem:s25+$0x20];
	v24 =	vshll.u32 v15, $0x4  }
0x97: {  	v21 =	vnsel vm0, $0x9, v21;
	v22 =	vcvt.f32.s32 v22;
	v15 =	vld [tilespmem:s25+$0xFFFFFFE0];
	v34 =	vor.u32 v1, v24  }
0x98: {  	v38 =	vtrunc.f32 v19;
	v24 =	vmul.f32 $1.000000000e+01, v7;
	v37 =	vshll.u32 v21, $0x4;
	v36 =	vld [tilespmem:s25+$0xFFFFFF80]  }
0x99: {  	v31 =	vcvt.f32.s32 v31;
	v39 =	vmul.f32 $1.000000000e+01, v17;
	vm0 =	vlt.s32 v22, $0x9;
	v40 =	vld [tilespmem:s25+$0x60]  }
0x9a: {  	v21 =	vmul.f32 $1.000000000e+01, v5;
	v41 =	vmul.f32 $1.000000000e+01, v16;
	v19 =	vnsel vm0, $0x9, v22;
	v42 =	vld [tilespmem:s25+$0x10]  }
0x9b: {  	vm1 =	vlt.s32 v31, $0x9;
	v43 =	vshll.u32 v19, $0x4;
	v19 =	vtrunc.f32 v24;
	[tilespmem:v35+s19+$0x0] =	vst.idx.add.f32.msk $0xffff, v20  }
0x9c: {  	v24 =	vor.u32 v1, v37;
	v37 =	vcvt.f32.s32 v29;
	v22 =	vld [tilespmem:s25+$0xFFFFFFD0];
	v20 =	vor.u32 v1, v43  }
0x9d: {  	v29 =	vcvt.s32.f32 v36;
	v36 =	vtrunc.f32 v39;
	[tilespmem:v34+s19+$0x0] =	vst.idx.add.f32.msk $0xffff, v23  }
0x9e: {  	vm0 =	vlt.s32 v37, $0x9;
	[tilespmem:v30+s19+$0x0] =	vst.idx.add.f32.msk $0xffff, v18;
	v23 =	vcvt.f32.s32 v36;
	v18 =	vtrunc.f32 v26  }
0x9f: {  	v26 =	vtrunc.f32 v27;
	[tilespmem:v30+s20+$0x0] =	vst.idx.add.f32.msk $0xffff, v29;
	v29 =	vtrunc.f32 v41;
	v30 =	vnsel vm1, $0x9, v31  }
0xa0: {  	v32 =	vcvt.s32.f32 v32;
	v31 =	vcvt.f32.s32 v29;
	v27 =	vld [tilespmem:s25+$0xFFFFFFA0];
	vm1 =	vlt.s32 v23, $0x9  }
.Ltmp0:
0xa1: {  	v36 =	vtrunc.f32 v33;
	v33 =	vcvt.s32.f32 v40;
	v23 =	vnsel vm1, $0x9, v23;
	[tilespmem:v20+s19+$0x0] =	vst.idx.add.f32.msk $0xffff, v28;
	(pc) =	sbr.rel @p1 .LBB2_2-.Ltmp0, $4  }
0xa2: {  	v29 =	vshll.u32 v30, $0x4;
	vm1 =	vlt.s32 v31, $0x9;
	v23 =	vshll.u32 v23, $0x4;
	[tilespmem:v24+s19+$0x0] =	vst.idx.add.f32.msk $0xffff, v25  }
0xa3: {  	v25 =	vnsel vm1, $0x9, v31;
	v28 =	vor.u32 v1, v23;
	v31 =	vcvt.f32.s32 v38;
	[tilespmem:v34+s20+$0x0] =	vst.idx.add.f32.msk $0xffff, v33  }
0xa4: {  	v34 =	vcvt.s32.f32 v42;
	v33 =	vshll.u32 v25, $0x4;
	v25 =	vmul.f32 $1.000000000e+01, v6;
	[tilespmem:v35+s20+$0x0] =	vst.idx.add.f32.msk $0xffff, v32  }
0xa5: {  	s30 =	simm.s32 $0x0;
	v30 =	vcvt.f32.s32 v36;
	v32 =	vnsel vm0, $0x9, v37;
	v23 =	vld [tilespmem:s25+$0x30];
	vm1 =	vlt.s32 v31, $0x9  }
0xa6: {  	_ =	sdelay $0x3  }
0xa7: {  	[tilespmem:v24+s20+$0x0] =	vst.idx.add.f32.msk $0xffff, v34  }
0xa8: {  	v43 =	vld [tilespmem:s28+$0x40]  }
0xa9: {  	v44 =	vld [tilespmem:s28+$0x50]  }
0xaa: {  	v33 =	vor.u32 v1, v33;
	[tilespmem:v28+s19+$0x0] =	vst.idx.add.f32.msk $0xffff, v17  }
0xab: {  	v27 =	vcvt.s32.f32 v27;
	v29 =	vor.u32 v1, v29;
	v46 =	vld [tilespmem:s28+$0xFFFFFF90];
	v32 =	vshll.u32 v32, $0x4  }
0xac: {  	v45 =	vcvt.f32.s32 v26;
	v22 =	vcvt.s32.f32 v22;
	v52 =	vld [tilespmem:s28+$0x0];
	v47 =	vor.u32 v1, v32  }
0xad: {  	v31 =	vnsel vm1, $0x9, v31;
	v19 =	vcvt.f32.s32 v19;
	v18 =	vcvt.f32.s32 v18;
	[tilespmem:v28+s20+$0x0] =	vst.idx.add.f32.msk $0xffff, v27  }
0xae: {  	v53 =	vtrunc.f32 v21;
	vm0 =	vlt.s32 v30, $0x9;
	v48 =	vshll.u32 v31, $0x4;
	[tilespmem:v20+s20+$0x0] =	vst.idx.add.f32.msk $0xffff, v22  }
0xaf: {  	vm11 =	vlt.s32 v45, $0x9;
	v49 =	vor.u32 v1, v48;
	v51 =	vnsel vm0, $0x9, v30;
	[tilespmem:v33+s19+$0x0] =	vst.idx.add.f32.msk $0xffff, v16  }
0xb0: {  	vm13 =	vlt.s32 v18, $0x9;
	v17 =	vnsel vm11, $0x9, v45;
	v50 =	vcvt.s32.f32 v44;
	[tilespmem:v29+s19+$0x0] =	vst.idx.add.f32.msk $0xffff, v13  }
0xb1: {  	v18 =	vnsel vm13, $0x9, v18;
	v17 =	vshll.u32 v17, $0x4;
	v24 =	vcvt.s32.f32 v43;
	[tilespmem:v47+s19+$0x0] =	vst.idx.add.f32.msk $0xffff, v10  }
0xb2: {  	vm12 =	vlt.s32 v19, $0x9;
	v18 =	vshll.u32 v18, $0x4;
	v17 =	vor.u32 v1, v17;
	[tilespmem:v29+s20+$0x0] =	vst.idx.add.f32.msk $0xffff, v50  }
0xb3: {  	v20 =	vcvt.f32.s32 v53;
	v58 =	vor.u32 v1, v18;
	v62 =	vcvt.s32.f32 v46;
	[tilespmem:v47+s20+$0x0] =	vst.idx.add.f32.msk $0xffff, v24  }
0xb4: {  	v19 =	vnsel vm12, $0x9, v19;
	v55 =	vcvt.s32.f32 v23;
	v13 =	vshll.u32 v51, $0x4;
	[tilespmem:v49+s19+$0x0] =	vst.idx.add.f32.msk $0xffff, v8  }
0xb5: {  	v54 =	vshll.u32 v19, $0x4;
	vm14 =	vlt.s32 v20, $0x9;
	v13 =	vor.u32 v1, v13;
	[tilespmem:v33+s20+$0x0] =	vst.idx.add.f32.msk $0xffff, v62  }
0xb6: {  	v56 =	vtrunc.f32 v25;
	v59 =	vnsel vm14, $0x9, v20;
	v10 =	vor.u32 v1, v54;
	[tilespmem:v49+s20+$0x0] =	vst.idx.add.f32.msk $0xffff, v55  }
0xb7: {  	v57 =	vcvt.s32.f32 v52;
	v16 =	vshll.u32 v59, $0x4;
	v8 =	vcvt.f32.s32 v56;
	[tilespmem:v17+s19+$0x0] =	vst.idx.add.f32.msk $0xffff, v9  }
0xb8: {  	v61 =	vor.u32 v1, v16;
	[tilespmem:v58+s19+$0x0] =	vst.idx.add.f32.msk $0xffff, v4  }
0xb9: {  	vm15 =	vlt.s32 v8, $0x9;
	[tilespmem:v17+s20+$0x0] =	vst.idx.add.f32.msk $0xffff, v57  }
0xba: {  	v63 =	vcvt.s32.f32 v14;
	v8 =	vnsel vm15, $0x9, v8;
	[tilespmem:v13+s19+$0x0] =	vst.idx.add.f32.msk $0xffff, v12  }
0xbb: {  	[tilespmem:v10+s19+$0x0] =	vst.idx.add.f32.msk $0xffff, v7;
	v8 =	vshll.u32 v8, $0x4  }
0xbc: {  	v3 =	vcvt.s32.f32 v3;
	[tilespmem:v58+s20+$0x0] =	vst.idx.add.f32.msk $0xffff, v63;
	v8 =	vor.u32 v1, v8  }
0xbd: {  	v60 =	vcvt.s32.f32 v15;
	[tilespmem:v61+s19+$0x0] =	vst.idx.add.f32.msk $0xffff, v5  }
0xbe: {  	[tilespmem:v61+s20+$0x0] =	vst.idx.add.f32.msk $0xffff, v3;
	v3 =	vcvt.s32.f32 v11  }
0xbf: {  	[tilespmem:v10+s20+$0x0] =	vst.idx.add.f32.msk $0xffff, v60  }
0xc0: {  	v2 =	vcvt.s32.f32 v2;
	[tilespmem:v13+s20+$0x0] =	vst.idx.add.f32.msk $0xffff, v3  }
0xc1: {  	[tilespmem:v8+s19+$0x0] =	vst.idx.add.f32.msk $0xffff, v6  }
0xc2: {  	[tilespmem:v8+s20+$0x0] =	vst.idx.add.f32.msk $0xffff, v2  }
.LBB2_4:
0xc3: {  	s25 =	sshra.s32 s30, $0x2  }
0xc4: {  	v2 =	vld [tilespmem:s25+$0x2800];
	_ =	sdelay $0x4  }
0xc5: {  	v3 =	vmul.f32 $1.000000000e+01, v2;
	_ =	sdelay $0x1  }
0xc6: {  	v3 =	vtrunc.f32 v3  }
0xc7: {  	v3 =	vcvt.f32.s32 v3;
	_ =	sdelay $0x1  }
0xc8: {  	vm0 =	vlt.s32 v3, $0x9  }
0xc9: {  	v3 =	vnsel vm0, $0x9, v3  }
0xca: {  	v4 =	vld [tilespmem:s25+$0x7A00];
	v3 =	vshll.u32 v3, $0x4  }
0xcb: {  	v3 =	vor.u32 v1, v3  }
0xcc: {  	p1 =	sne.s32 s30, $0x280  }
.Ltmp1:
0xcd: {  	_ = 	snop;
	(pc) =	sbr.rel @p1 .LBB2_4-.Ltmp1, $4  }
0xce: {  	_ = 	snop  }
0xcf: {  	v4 =	vcvt.s32.f32 v4  }
0xd0: {  	[tilespmem:v3+s19+$0x0] =	vst.idx.add.f32.msk $0xffff, v2  }
0xd1: {  	s30 =	sadd.s32 $0x40, s30;
	[tilespmem:v3+s20+$0x0] =	vst.idx.add.f32.msk $0xffff, v4  }
0xd2: {  	_ =	swait.ge [sflag:s21], $0x28B0  }
0xd3: {  	[sflag:s21] =	ssyncset.done $0x0  }
0xd4: {  	[sflag:s21] =	ssyncadd.s32 $0xFFFFD750  }
0xd5: {  	_ =	swait.ge [sflag:s22], $0x28B0  }
0xd6: {  	[sflag:s22] =	ssyncset.done $0x0  }
0xd7: {  	[sflag:s22] =	ssyncadd.s32 $0xFFFFD750  }
0xd8: {  	[tilespmem:s2], [sflag:$0x1] =	stream.linear.gather [hbm4b:s7+s2], $0x28B0, $0x38;
	[tilespmem:$0xA700] =	vst v63  }
0xd9: {  	s26 =	simm.s32 $0x2980  }
0xda: {  	[tilespmem:s14], [sflag:$0x2] =	stream.linear.gather [hbm4b:s8+s2], $0x28B0, $0x38;
	[tilespmem:$0xA700] =	vst v63  }
0xdb: {  	v18 =	vld [tilespmem:s26+$0xFFFFFF80]  }
0xdc: {  	v20 =	vld [tilespmem:s26+$0x70]  }
0xdd: {  	v23 =	vld [tilespmem:s26+$0x60]  }
0xde: {  	v13 =	vld [tilespmem:s26+$0x50]  }
0xdf: {  	v10 =	vld [tilespmem:s26+$0x40]  }
0xe0: {  	v8 =	vld [tilespmem:s26+$0x30]  }
0xe1: {  	v4 =	vld [tilespmem:s26+$0x20]  }
0xe2: {  	v25 =	vld [tilespmem:s26+$0x10]  }
0xe3: {  	v9 =	vld [tilespmem:s26+$0x0]  }
0xe4: {  	s25 =	simm.s32 $0x7B80;
	v17 =	vld [tilespmem:s26+$0xFFFFFFA0]  }
0xe5: {  	v32 =	vld [tilespmem:s25+$0x70];
	v5 =	vmul.f32 $1.000000000e+01, v18  }
0xe6: {  	v40 =	vld [tilespmem:s25+$0x60];
	v6 =	vmul.f32 $1.000000000e+01, v20;
	v11 =	vmul.f32 $1.000000000e+01, v23  }
0xe7: {  	v14 =	vmul.f32 $1.000000000e+01, v13;
	v15 =	vmul.f32 $1.000000000e+01, v10  }
0xe8: {  	v19 =	vmul.f32 $1.000000000e+01, v8;
	v26 =	vmul.f32 $1.000000000e+01, v4  }
0xe9: {  	v21 =	vmul.f32 $1.000000000e+01, v25;
	v27 =	vmul.f32 $1.000000000e+01, v9  }
0xea: {  	v39 =	vmul.f32 $1.000000000e+01, v17;
	v32 =	vcvt.s32.f32 v32  }
0xeb: {  	v2 =	vld [tilespmem:s25+$0xFFFFFFB0];
	v63 =	vcvt.s32.f32 v40;
	v5 =	vtrunc.f32 v5  }
0xec: {  	v3 =	vld [tilespmem:s25+$0xFFFFFFF0];
	v6 =	vtrunc.f32 v6;
	v11 =	vtrunc.f32 v11  }
0xed: {  	v7 =	vld [tilespmem:s26+$0xFFFFFFE0];
	v21 =	vtrunc.f32 v21;
	v29 =	vtrunc.f32 v15  }
0xee: {  	v28 =	vld [tilespmem:s26+$0xFFFFFFD0];
	v31 =	vtrunc.f32 v14;
	v22 =	vcvt.f32.s32 v6  }
0xef: {  	v36 =	vld [tilespmem:s25+$0xFFFFFF80];
	v38 =	vtrunc.f32 v19;
	v12 =	vcvt.f32.s32 v5  }
0xf0: {  	v42 =	vld [tilespmem:s25+$0x10];
	v61 =	vtrunc.f32 v39;
	v11 =	vcvt.f32.s32 v11;
	vm1 =	vlt.s32 v22, $0x9  }
0xf1: {  	v14 =	vld [tilespmem:s25+$0x20];
	v21 =	vcvt.f32.s32 v21;
	vm0 =	vlt.s32 v12, $0x9;
	v22 =	vnsel vm1, $0x9, v22  }
0xf2: {  	v5 =	vld [tilespmem:s26+$0xFFFFFFF0];
	v31 =	vcvt.f32.s32 v31;
	v16 =	vnsel vm0, $0x9, v12;
	v22 =	vshll.u32 v22, $0x4  }
0xf3: {  	v60 =	vcvt.f32.s32 v29;
	v12 =	vld [tilespmem:s26+$0xFFFFFFC0];
	v24 =	vshll.u32 v16, $0x4;
	v35 =	vor.u32 v1, v22  }
0xf4: {  	vm0 =	vlt.s32 v11, $0x9;
	v16 =	vld [tilespmem:s26+$0xFFFFFF90];
	v30 =	vor.u32 v1, v24;
	v24 =	vmul.f32 $1.000000000e+01, v28  }
0xf5: {  	v6 =	vld [tilespmem:s26+$0xFFFFFFB0];
	v29 =	vcvt.s32.f32 v36;
	vm2 =	vlt.s32 v60, $0x9;
	v15 =	vnsel vm0, $0x9, v11  }
0xf6: {  	v11 =	vld [tilespmem:s25+$0xFFFFFFC0];
	vm0 =	vlt.s32 v21, $0x9;
	v22 =	vtrunc.f32 v24;
	v24 =	vshll.u32 v15, $0x4  }
0xf7: {  	v21 =	vnsel vm0, $0x9, v21;
	v15 =	vld [tilespmem:s25+$0xFFFFFFE0];
	v22 =	vcvt.f32.s32 v22;
	v34 =	vor.u32 v1, v24  }
0xf8: {  	v37 =	vshll.u32 v21, $0x4;
	v33 =	vmul.f32 $1.000000000e+01, v12;
	v24 =	vmul.f32 $1.000000000e+01, v7;
	[tilespmem:v35+s19+$0x0] =	vst.idx.add.f32.msk $0xffff, v20  }
0xf9: {  	v41 =	vmul.f32 $1.000000000e+01, v16;
	vm0 =	vlt.s32 v22, $0x9;
	[tilespmem:v30+s19+$0x0] =	vst.idx.add.f32.msk $0xffff, v18;
	v18 =	vtrunc.f32 v26  }
0xfa: {  	v26 =	vtrunc.f32 v27;
	v27 =	vld [tilespmem:s25+$0xFFFFFFA0];
	v19 =	vnsel vm0, $0x9, v22;
	vm0 =	vlt.s32 v31, $0x9  }
0xfb: {  	[tilespmem:v30+s20+$0x0] =	vst.idx.add.f32.msk $0xffff, v29;
	v43 =	vshll.u32 v19, $0x4;
	v19 =	vtrunc.f32 v24;
	v24 =	vor.u32 v1, v37  }
0xfc: {  	v29 =	vtrunc.f32 v41;
	v20 =	vor.u32 v1, v43;
	[tilespmem:v34+s19+$0x0] =	vst.idx.add.f32.msk $0xffff, v23;
	v23 =	vcvt.f32.s32 v61  }
0xfd: {  	v21 =	vmul.f32 $1.000000000e+01, v5;
	v22 =	vld [tilespmem:s25+$0xFFFFFFD0];
	v30 =	vnsel vm0, $0x9, v31;
	v31 =	vcvt.f32.s32 v29  }
0xfe: {  	v62 =	vtrunc.f32 v33;
	[tilespmem:v35+s20+$0x0] =	vst.idx.add.f32.msk $0xffff, v32;
	v32 =	vnsel vm2, $0x9, v60;
	vm0 =	vlt.s32 v23, $0x9  }
0xff: {  	v29 =	vshll.u32 v30, $0x4;
	[tilespmem:v34+s20+$0x0] =	vst.idx.add.f32.msk $0xffff, v63;
	v23 =	vnsel vm0, $0x9, v23;
	vm0 =	vlt.s32 v31, $0x9  }
0x100: {  	v23 =	vshll.u32 v23, $0x4;
	[tilespmem:v24+s19+$0x0] =	vst.idx.add.f32.msk $0xffff, v25;
	v25 =	vnsel vm0, $0x9, v31;
	v31 =	vcvt.f32.s32 v38  }
0x101: {  	v30 =	vcvt.f32.s32 v62;
	v34 =	vcvt.s32.f32 v42;
	[tilespmem:v20+s19+$0x0] =	vst.idx.add.f32.msk $0xffff, v28;
	v28 =	vor.u32 v1, v23  }
0x102: {  	s29 =	simm.s32 $0x0;
	s28 =	simm.s32 $0x7B80;
	v33 =	vshll.u32 v25, $0x4;
	v25 =	vmul.f32 $1.000000000e+01, v6;
	v23 =	vld [tilespmem:s25+$0x30];
	vm1 =	vlt.s32 v31, $0x9  }
.LBB2_6:
0x103: {  	s29 =	sadd.s32 $0x10, s29;
	v21 =	vtrunc.f32 v21;
	v26 =	vcvt.f32.s32 v26;
	[tilespmem:v24+s20+$0x0] =	vst.idx.add.f32.msk $0xffff, v34;
	v24 =	vnsel vm1, $0x9, v31;
	s25 =	sadd.s32 $0x100, s25;
	s26 =	sadd.s32 $0x100, s26  }
0x104: {  	v31 =	vor.u32 v1, v33;
	v27 =	vcvt.s32.f32 v27;
	p1 =	slt.u32 s29, $0x270;
	vm0 =	vlt.s32 v30, $0x9;
	v33 =	vld [tilespmem:s28+$0x40]  }
0x105: {  	v22 =	vcvt.s32.f32 v22;
	v24 =	vshll.u32 v24, $0x4;
	v34 =	vld [tilespmem:s28+$0xFFFFFF90];
	v30 =	vnsel vm0, $0x9, v30  }
0x106: {  	v25 =	vtrunc.f32 v25;
	v32 =	vshll.u32 v32, $0x4;
	v29 =	vor.u32 v1, v29;
	v35 =	vld [tilespmem:s28+$0x50]  }
0x107: {  	vm0 =	vlt.s32 v26, $0x9;
	[tilespmem:v28+s19+$0x0] =	vst.idx.add.f32.msk $0xffff, v17;
	v17 =	vcvt.f32.s32 v25;
	v25 =	vor.u32 v1, v32  }
0x108: {  	v19 =	vcvt.f32.s32 v19;
	v24 =	vor.u32 v1, v24;
	v26 =	vnsel vm0, $0x9, v26;
	[tilespmem:v28+s20+$0x0] =	vst.idx.add.f32.msk $0xffff, v27  }
0x109: {  	vm0 =	vlt.s32 v17, $0x9;
	[tilespmem:v20+s20+$0x0] =	vst.idx.add.f32.msk $0xffff, v22;
	v20 =	vcvt.f32.s32 v21;
	v21 =	vshll.u32 v26, $0x4  }
0x10a: {  	vm1 =	vlt.s32 v19, $0x9;
	[tilespmem:v31+s19+$0x0] =	vst.idx.add.f32.msk $0xffff, v16;
	v16 =	vor.u32 v1, v21  }
0x10b: {  	v22 =	vcvt.s32.f32 v33;
	v21 =	vshll.u32 v30, $0x4;
	v26 =	vcvt.s32.f32 v35;
	[tilespmem:v29+s19+$0x0] =	vst.idx.add.f32.msk $0xffff, v13  }
0x10c: {  	v19 =	vnsel vm1, $0x9, v19;
	v13 =	vnsel vm0, $0x9, v17;
	v17 =	vor.u32 v1, v21;
	v21 =	vld [tilespmem:s28+$0x0];
	s28 =	smov.u32 s25  }
0x10d: {  	v18 =	vcvt.f32.s32 v18;
	v19 =	vshll.u32 v19, $0x4;
	v13 =	vshll.u32 v13, $0x4;
	[tilespmem:v29+s20+$0x0] =	vst.idx.add.f32.msk $0xffff, v26  }
0x10e: {  	vm0 =	vlt.s32 v20, $0x9;
	v26 =	vcvt.s32.f32 v34;
	[tilespmem:v25+s19+$0x0] =	vst.idx.add.f32.msk $0xffff, v10  }
0x10f: {  	vm1 =	vlt.s32 v18, $0x9;
	v10 =	vor.u32 v1, v19;
	v19 =	vcvt.s32.f32 v23;
	[tilespmem:v25+s20+$0x0] =	vst.idx.add.f32.msk $0xffff, v22  }
0x110: {  	v18 =	vnsel vm1, $0x9, v18;
	v20 =	vnsel vm0, $0x9, v20;
	[tilespmem:v24+s19+$0x0] =	vst.idx.add.f32.msk $0xffff, v8  }
0x111: {  	v18 =	vshll.u32 v18, $0x4;
	v8 =	vshll.u32 v20, $0x4;
	v20 =	vcvt.s32.f32 v21;
	[tilespmem:v24+s20+$0x0] =	vst.idx.add.f32.msk $0xffff, v19  }
0x112: {  	[tilespmem:v16+s19+$0x0] =	vst.idx.add.f32.msk $0xffff, v9;
	v9 =	vor.u32 v1, v18  }
0x113: {  	[tilespmem:v16+s20+$0x0] =	vst.idx.add.f32.msk $0xffff, v20  }
0x114: {  	[tilespmem:v17+s19+$0x0] =	vst.idx.add.f32.msk $0xffff, v12;
	v12 =	vcvt.s32.f32 v15  }
0x115: {  	v13 =	vor.u32 v1, v13;
	[tilespmem:v10+s19+$0x0] =	vst.idx.add.f32.msk $0xffff, v7;
	v7 =	vor.u32 v1, v8  }
0x116: {  	[tilespmem:v10+s20+$0x0] =	vst.idx.add.f32.msk $0xffff, v12  }
0x117: {  	v8 =	vcvt.s32.f32 v14;
	[tilespmem:v9+s19+$0x0] =	vst.idx.add.f32.msk $0xffff, v4  }
0x118: {  	[tilespmem:v31+s20+$0x0] =	vst.idx.add.f32.msk $0xffff, v26  }
0x119: {  	v3 =	vcvt.s32.f32 v3;
	[tilespmem:v9+s20+$0x0] =	vst.idx.add.f32.msk $0xffff, v8  }
0x11a: {  	[tilespmem:v7+s19+$0x0] =	vst.idx.add.f32.msk $0xffff, v5  }
0x11b: {  	v2 =	vcvt.s32.f32 v2;
	v4 =	vcvt.s32.f32 v11;
	[tilespmem:v7+s20+$0x0] =	vst.idx.add.f32.msk $0xffff, v3  }
0x11c: {  	[tilespmem:v13+s19+$0x0] =	vst.idx.add.f32.msk $0xffff, v6  }
0x11d: {  	[tilespmem:v13+s20+$0x0] =	vst.idx.add.f32.msk $0xffff, v2  }
0x11e: {  	[tilespmem:v17+s20+$0x0] =	vst.idx.add.f32.msk $0xffff, v4  }
0x11f: {  	v2 =	vld [tilespmem:s25+$0xFFFFFFB0]  }
0x120: {  	v3 =	vld [tilespmem:s25+$0xFFFFFFF0]  }
0x121: {  	v18 =	vld [tilespmem:s26+$0xFFFFFF80]  }
0x122: {  	v20 =	vld [tilespmem:s26+$0x70]  }
0x123: {  	v23 =	vld [tilespmem:s26+$0x60]  }
0x124: {  	v13 =	vld [tilespmem:s26+$0x50]  }
0x125: {  	v10 =	vld [tilespmem:s26+$0x40]  }
0x126: {  	v5 =	vmul.f32 $1.000000000e+01, v18;
	v8 =	vld [tilespmem:s26+$0x30]  }
0x127: {  	v4 =	vld [tilespmem:s26+$0x20];
	v6 =	vmul.f32 $1.000000000e+01, v20  }
0x128: {  	v5 =	vtrunc.f32 v5;
	v25 =	vld [tilespmem:s26+$0x10];
	v11 =	vmul.f32 $1.000000000e+01, v23  }
0x129: {  	v9 =	vld [tilespmem:s26+$0x0];
	v14 =	vmul.f32 $1.000000000e+01, v13;
	v6 =	vtrunc.f32 v6  }
0x12a: {  	v12 =	vcvt.f32.s32 v5;
	v5 =	vld [tilespmem:s26+$0xFFFFFFF0];
	v15 =	vmul.f32 $1.000000000e+01, v10  }
0x12b: {  	v11 =	vtrunc.f32 v11;
	v7 =	vld [tilespmem:s26+$0xFFFFFFE0];
	v19 =	vmul.f32 $1.000000000e+01, v8  }
0x12c: {  	vm0 =	vlt.s32 v12, $0x9;
	v11 =	vcvt.f32.s32 v11;
	v28 =	vld [tilespmem:s26+$0xFFFFFFD0];
	v26 =	vmul.f32 $1.000000000e+01, v4  }
0x12d: {  	v22 =	vcvt.f32.s32 v6;
	v16 =	vnsel vm0, $0x9, v12;
	v12 =	vld [tilespmem:s26+$0xFFFFFFC0];
	v21 =	vmul.f32 $1.000000000e+01, v25  }
0x12e: {  	v24 =	vshll.u32 v16, $0x4;
	vm0 =	vlt.s32 v11, $0x9;
	v6 =	vld [tilespmem:s26+$0xFFFFFFB0];
	v27 =	vmul.f32 $1.000000000e+01, v9  }
0x12f: {  	v29 =	vtrunc.f32 v15;
	vm1 =	vlt.s32 v22, $0x9;
	v17 =	vld [tilespmem:s26+$0xFFFFFFA0];
	v21 =	vtrunc.f32 v21  }
0x130: {  	v22 =	vnsel vm1, $0x9, v22;
	v15 =	vnsel vm0, $0x9, v11;
	v16 =	vld [tilespmem:s26+$0xFFFFFF90];
	v21 =	vcvt.f32.s32 v21  }
0x131: {  	v30 =	vor.u32 v1, v24;
	v22 =	vshll.u32 v22, $0x4;
	v11 =	vld [tilespmem:s25+$0xFFFFFFC0];
	v24 =	vmul.f32 $1.000000000e+01, v28  }
0x132: {  	v31 =	vtrunc.f32 v14;
	v35 =	vor.u32 v1, v22;
	vm0 =	vlt.s32 v21, $0x9;
	v32 =	vld [tilespmem:s25+$0x70]  }
0x133: {  	v33 =	vmul.f32 $1.000000000e+01, v12;
	v22 =	vtrunc.f32 v24;
	v14 =	vld [tilespmem:s25+$0x20];
	v24 =	vshll.u32 v15, $0x4  }
0x134: {  	v21 =	vnsel vm0, $0x9, v21;
	v22 =	vcvt.f32.s32 v22;
	v15 =	vld [tilespmem:s25+$0xFFFFFFE0];
	v34 =	vor.u32 v1, v24  }
0x135: {  	v38 =	vtrunc.f32 v19;
	v24 =	vmul.f32 $1.000000000e+01, v7;
	v37 =	vshll.u32 v21, $0x4;
	v36 =	vld [tilespmem:s25+$0xFFFFFF80]  }
0x136: {  	v31 =	vcvt.f32.s32 v31;
	v39 =	vmul.f32 $1.000000000e+01, v17;
	vm0 =	vlt.s32 v22, $0x9;
	v40 =	vld [tilespmem:s25+$0x60]  }
0x137: {  	v21 =	vmul.f32 $1.000000000e+01, v5;
	v41 =	vmul.f32 $1.000000000e+01, v16;
	v19 =	vnsel vm0, $0x9, v22;
	v42 =	vld [tilespmem:s25+$0x10]  }
0x138: {  	vm1 =	vlt.s32 v31, $0x9;
	v43 =	vshll.u32 v19, $0x4;
	v19 =	vtrunc.f32 v24;
	[tilespmem:v35+s19+$0x0] =	vst.idx.add.f32.msk $0xffff, v20  }
0x139: {  	v24 =	vor.u32 v1, v37;
	v37 =	vcvt.f32.s32 v29;
	v22 =	vld [tilespmem:s25+$0xFFFFFFD0];
	v20 =	vor.u32 v1, v43  }
0x13a: {  	v29 =	vcvt.s32.f32 v36;
	v36 =	vtrunc.f32 v39;
	[tilespmem:v34+s19+$0x0] =	vst.idx.add.f32.msk $0xffff, v23  }
0x13b: {  	vm0 =	vlt.s32 v37, $0x9;
	[tilespmem:v30+s19+$0x0] =	vst.idx.add.f32.msk $0xffff, v18;
	v23 =	vcvt.f32.s32 v36;
	v18 =	vtrunc.f32 v26  }
0x13c: {  	v26 =	vtrunc.f32 v27;
	[tilespmem:v30+s20+$0x0] =	vst.idx.add.f32.msk $0xffff, v29;
	v29 =	vtrunc.f32 v41;
	v30 =	vnsel vm1, $0x9, v31  }
0x13d: {  	v32 =	vcvt.s32.f32 v32;
	v31 =	vcvt.f32.s32 v29;
	v27 =	vld [tilespmem:s25+$0xFFFFFFA0];
	vm1 =	vlt.s32 v23, $0x9  }
.Ltmp2:
0x13e: {  	v36 =	vtrunc.f32 v33;
	v33 =	vcvt.s32.f32 v40;
	v23 =	vnsel vm1, $0x9, v23;
	[tilespmem:v20+s19+$0x0] =	vst.idx.add.f32.msk $0xffff, v28;
	(pc) =	sbr.rel @p1 .LBB2_6-.Ltmp2, $4  }
0x13f: {  	v29 =	vshll.u32 v30, $0x4;
	vm1 =	vlt.s32 v31, $0x9;
	v23 =	vshll.u32 v23, $0x4;
	[tilespmem:v24+s19+$0x0] =	vst.idx.add.f32.msk $0xffff, v25  }
0x140: {  	v25 =	vnsel vm1, $0x9, v31;
	v28 =	vor.u32 v1, v23;
	v31 =	vcvt.f32.s32 v38;
	[tilespmem:v34+s20+$0x0] =	vst.idx.add.f32.msk $0xffff, v33  }
0x141: {  	v34 =	vcvt.s32.f32 v42;
	v33 =	vshll.u32 v25, $0x4;
	v25 =	vmul.f32 $1.000000000e+01, v6;
	[tilespmem:v35+s20+$0x0] =	vst.idx.add.f32.msk $0xffff, v32  }
0x142: {  	s30 =	simm.s32 $0x0;
	v30 =	vcvt.f32.s32 v36;
	v32 =	vnsel vm0, $0x9, v37;
	v23 =	vld [tilespmem:s25+$0x30];
	vm1 =	vlt.s32 v31, $0x9  }
0x143: {  	_ =	sdelay $0x3  }
0x144: {  	[tilespmem:v24+s20+$0x0] =	vst.idx.add.f32.msk $0xffff, v34  }
0x145: {  	v43 =	vld [tilespmem:s28+$0x40]  }
0x146: {  	v44 =	vld [tilespmem:s28+$0x50]  }
0x147: {  	v33 =	vor.u32 v1, v33;
	[tilespmem:v28+s19+$0x0] =	vst.idx.add.f32.msk $0xffff, v17  }
0x148: {  	v27 =	vcvt.s32.f32 v27;
	v29 =	vor.u32 v1, v29;
	v46 =	vld [tilespmem:s28+$0xFFFFFF90];
	v32 =	vshll.u32 v32, $0x4  }
0x149: {  	v45 =	vcvt.f32.s32 v26;
	v22 =	vcvt.s32.f32 v22;
	v52 =	vld [tilespmem:s28+$0x0];
	v47 =	vor.u32 v1, v32  }
0x14a: {  	v31 =	vnsel vm1, $0x9, v31;
	v19 =	vcvt.f32.s32 v19;
	v18 =	vcvt.f32.s32 v18;
	[tilespmem:v28+s20+$0x0] =	vst.idx.add.f32.msk $0xffff, v27  }
0x14b: {  	v53 =	vtrunc.f32 v21;
	vm0 =	vlt.s32 v30, $0x9;
	v48 =	vshll.u32 v31, $0x4;
	[tilespmem:v20+s20+$0x0] =	vst.idx.add.f32.msk $0xffff, v22  }
0x14c: {  	vm11 =	vlt.s32 v45, $0x9;
	v49 =	vor.u32 v1, v48;
	v51 =	vnsel vm0, $0x9, v30;
	[tilespmem:v33+s19+$0x0] =	vst.idx.add.f32.msk $0xffff, v16  }
0x14d: {  	vm13 =	vlt.s32 v18, $0x9;
	v17 =	vnsel vm11, $0x9, v45;
	v50 =	vcvt.s32.f32 v44;
	[tilespmem:v29+s19+$0x0] =	vst.idx.add.f32.msk $0xffff, v13  }
0x14e: {  	v18 =	vnsel vm13, $0x9, v18;
	v17 =	vshll.u32 v17, $0x4;
	v24 =	vcvt.s32.f32 v43;
	[tilespmem:v47+s19+$0x0] =	vst.idx.add.f32.msk $0xffff, v10  }
0x14f: {  	vm12 =	vlt.s32 v19, $0x9;
	v18 =	vshll.u32 v18, $0x4;
	v17 =	vor.u32 v1, v17;
	[tilespmem:v29+s20+$0x0] =	vst.idx.add.f32.msk $0xffff, v50  }
0x150: {  	v20 =	vcvt.f32.s32 v53;
	v58 =	vor.u32 v1, v18;
	v62 =	vcvt.s32.f32 v46;
	[tilespmem:v47+s20+$0x0] =	vst.idx.add.f32.msk $0xffff, v24  }
0x151: {  	v19 =	vnsel vm12, $0x9, v19;
	v55 =	vcvt.s32.f32 v23;
	v13 =	vshll.u32 v51, $0x4;
	[tilespmem:v49+s19+$0x0] =	vst.idx.add.f32.msk $0xffff, v8  }
0x152: {  	v54 =	vshll.u32 v19, $0x4;
	vm14 =	vlt.s32 v20, $0x9;
	v13 =	vor.u32 v1, v13;
	[tilespmem:v33+s20+$0x0] =	vst.idx.add.f32.msk $0xffff, v62  }
0x153: {  	v56 =	vtrunc.f32 v25;
	v59 =	vnsel vm14, $0x9, v20;
	v10 =	vor.u32 v1, v54;
	[tilespmem:v49+s20+$0x0] =	vst.idx.add.f32.msk $0xffff, v55  }
0x154: {  	v57 =	vcvt.s32.f32 v52;
	v16 =	vshll.u32 v59, $0x4;
	v8 =	vcvt.f32.s32 v56;
	[tilespmem:v17+s19+$0x0] =	vst.idx.add.f32.msk $0xffff, v9  }
0x155: {  	v61 =	vor.u32 v1, v16;
	[tilespmem:v58+s19+$0x0] =	vst.idx.add.f32.msk $0xffff, v4  }
0x156: {  	vm15 =	vlt.s32 v8, $0x9;
	[tilespmem:v17+s20+$0x0] =	vst.idx.add.f32.msk $0xffff, v57  }
0x157: {  	v63 =	vcvt.s32.f32 v14;
	v8 =	vnsel vm15, $0x9, v8;
	[tilespmem:v13+s19+$0x0] =	vst.idx.add.f32.msk $0xffff, v12  }
0x158: {  	[tilespmem:v10+s19+$0x0] =	vst.idx.add.f32.msk $0xffff, v7;
	v8 =	vshll.u32 v8, $0x4  }
0x159: {  	v3 =	vcvt.s32.f32 v3;
	[tilespmem:v58+s20+$0x0] =	vst.idx.add.f32.msk $0xffff, v63;
	v8 =	vor.u32 v1, v8  }
0x15a: {  	v60 =	vcvt.s32.f32 v15;
	[tilespmem:v61+s19+$0x0] =	vst.idx.add.f32.msk $0xffff, v5  }
0x15b: {  	[tilespmem:v61+s20+$0x0] =	vst.idx.add.f32.msk $0xffff, v3;
	v3 =	vcvt.s32.f32 v11  }
0x15c: {  	[tilespmem:v10+s20+$0x0] =	vst.idx.add.f32.msk $0xffff, v60  }
0x15d: {  	v2 =	vcvt.s32.f32 v2;
	[tilespmem:v13+s20+$0x0] =	vst.idx.add.f32.msk $0xffff, v3  }
0x15e: {  	[tilespmem:v8+s19+$0x0] =	vst.idx.add.f32.msk $0xffff, v6  }
0x15f: {  	[tilespmem:v8+s20+$0x0] =	vst.idx.add.f32.msk $0xffff, v2  }
.LBB2_8:
0x160: {  	s25 =	sshra.s32 s30, $0x2  }
0x161: {  	v2 =	vld [tilespmem:s25+$0x5100];
	_ =	sdelay $0x4  }
0x162: {  	v3 =	vmul.f32 $1.000000000e+01, v2;
	_ =	sdelay $0x1  }
0x163: {  	v3 =	vtrunc.f32 v3  }
0x164: {  	v3 =	vcvt.f32.s32 v3;
	_ =	sdelay $0x1  }
0x165: {  	vm0 =	vlt.s32 v3, $0x9  }
0x166: {  	v3 =	vnsel vm0, $0x9, v3  }
0x167: {  	v4 =	vld [tilespmem:s25+$0xA300];
	v3 =	vshll.u32 v3, $0x4  }
0x168: {  	v3 =	vor.u32 v1, v3  }
0x169: {  	p1 =	sne.s32 s30, $0x280  }
.Ltmp3:
0x16a: {  	_ = 	snop;
	(pc) =	sbr.rel @p1 .LBB2_8-.Ltmp3, $4  }
0x16b: {  	_ = 	snop  }
0x16c: {  	v4 =	vcvt.s32.f32 v4  }
0x16d: {  	[tilespmem:v3+s19+$0x0] =	vst.idx.add.f32.msk $0xffff, v2  }
0x16e: {  	s30 =	sadd.s32 $0x40, s30;
	[tilespmem:v3+s20+$0x0] =	vst.idx.add.f32.msk $0xffff, v4  }
0x16f: {  	_ =	swait.ge [sflag:s15], $0x28B0  }
0x170: {  	[sflag:s15] =	ssyncset.done $0x0  }
0x171: {  	[sflag:s15] =	ssyncadd.s32 $0xFFFFD750  }
0x172: {  	_ =	swait.ge [sflag:s16], $0x28B0  }
0x173: {  	[sflag:s16] =	ssyncset.done $0x0  }
0x174: {  	s26 =	simm.s32 $0x80;
	[sflag:s16] =	ssyncadd.s32 $0xFFFFD750  }
0x175: {  	v18 =	vld [tilespmem:s26+$0xFFFFFF80]  }
0x176: {  	v20 =	vld [tilespmem:s26+$0x70]  }
0x177: {  	v23 =	vld [tilespmem:s26+$0x60]  }
0x178: {  	v13 =	vld [tilespmem:s26+$0x50]  }
0x179: {  	v10 =	vld [tilespmem:s26+$0x40]  }
0x17a: {  	v8 =	vld [tilespmem:s26+$0x30]  }
0x17b: {  	v4 =	vld [tilespmem:s26+$0x20]  }
0x17c: {  	v25 =	vld [tilespmem:s26+$0x10]  }
0x17d: {  	v9 =	vld [tilespmem:s26+$0x0]  }
0x17e: {  	s25 =	simm.s32 $0x5280;
	v17 =	vld [tilespmem:s26+$0xFFFFFFA0]  }
0x17f: {  	v32 =	vld [tilespmem:s25+$0x70];
	v5 =	vmul.f32 $1.000000000e+01, v18  }
0x180: {  	v40 =	vld [tilespmem:s25+$0x60];
	v6 =	vmul.f32 $1.000000000e+01, v20;
	v11 =	vmul.f32 $1.000000000e+01, v23  }
0x181: {  	v14 =	vmul.f32 $1.000000000e+01, v13;
	v15 =	vmul.f32 $1.000000000e+01, v10  }
0x182: {  	v19 =	vmul.f32 $1.000000000e+01, v8;
	v26 =	vmul.f32 $1.000000000e+01, v4  }
0x183: {  	v21 =	vmul.f32 $1.000000000e+01, v25;
	v27 =	vmul.f32 $1.000000000e+01, v9  }
0x184: {  	v39 =	vmul.f32 $1.000000000e+01, v17;
	v32 =	vcvt.s32.f32 v32  }
0x185: {  	v2 =	vld [tilespmem:s25+$0xFFFFFFB0];
	v63 =	vcvt.s32.f32 v40;
	v5 =	vtrunc.f32 v5  }
0x186: {  	v3 =	vld [tilespmem:s25+$0xFFFFFFF0];
	v6 =	vtrunc.f32 v6;
	v11 =	vtrunc.f32 v11  }
0x187: {  	v7 =	vld [tilespmem:s26+$0xFFFFFFE0];
	v21 =	vtrunc.f32 v21;
	v29 =	vtrunc.f32 v15  }
0x188: {  	v28 =	vld [tilespmem:s26+$0xFFFFFFD0];
	v31 =	vtrunc.f32 v14;
	v22 =	vcvt.f32.s32 v6  }
0x189: {  	v36 =	vld [tilespmem:s25+$0xFFFFFF80];
	v38 =	vtrunc.f32 v19;
	v12 =	vcvt.f32.s32 v5  }
0x18a: {  	v42 =	vld [tilespmem:s25+$0x10];
	v61 =	vtrunc.f32 v39;
	v11 =	vcvt.f32.s32 v11;
	vm1 =	vlt.s32 v22, $0x9  }
0x18b: {  	v14 =	vld [tilespmem:s25+$0x20];
	v21 =	vcvt.f32.s32 v21;
	vm0 =	vlt.s32 v12, $0x9;
	v22 =	vnsel vm1, $0x9, v22  }
0x18c: {  	v5 =	vld [tilespmem:s26+$0xFFFFFFF0];
	v31 =	vcvt.f32.s32 v31;
	v16 =	vnsel vm0, $0x9, v12;
	v22 =	vshll.u32 v22, $0x4  }
0x18d: {  	v60 =	vcvt.f32.s32 v29;
	v12 =	vld [tilespmem:s26+$0xFFFFFFC0];
	v24 =	vshll.u32 v16, $0x4;
	v35 =	vor.u32 v1, v22  }
0x18e: {  	vm0 =	vlt.s32 v11, $0x9;
	v16 =	vld [tilespmem:s26+$0xFFFFFF90];
	v30 =	vor.u32 v1, v24;
	v24 =	vmul.f32 $1.000000000e+01, v28  }
0x18f: {  	v6 =	vld [tilespmem:s26+$0xFFFFFFB0];
	v29 =	vcvt.s32.f32 v36;
	vm2 =	vlt.s32 v60, $0x9;
	v15 =	vnsel vm0, $0x9, v11  }
0x190: {  	v11 =	vld [tilespmem:s25+$0xFFFFFFC0];
	vm0 =	vlt.s32 v21, $0x9;
	v22 =	vtrunc.f32 v24;
	v24 =	vshll.u32 v15, $0x4  }
0x191: {  	v21 =	vnsel vm0, $0x9, v21;
	v15 =	vld [tilespmem:s25+$0xFFFFFFE0];
	v22 =	vcvt.f32.s32 v22;
	v34 =	vor.u32 v1, v24  }
0x192: {  	v37 =	vshll.u32 v21, $0x4;
	v33 =	vmul.f32 $1.000000000e+01, v12;
	v24 =	vmul.f32 $1.000000000e+01, v7;
	[tilespmem:v35+s19+$0x0] =	vst.idx.add.f32.msk $0xffff, v20  }
0x193: {  	v41 =	vmul.f32 $1.000000000e+01, v16;
	vm0 =	vlt.s32 v22, $0x9;
	[tilespmem:v30+s19+$0x0] =	vst.idx.add.f32.msk $0xffff, v18;
	v18 =	vtrunc.f32 v26  }
0x194: {  	v26 =	vtrunc.f32 v27;
	v27 =	vld [tilespmem:s25+$0xFFFFFFA0];
	v19 =	vnsel vm0, $0x9, v22;
	vm0 =	vlt.s32 v31, $0x9  }
0x195: {  	[tilespmem:v30+s20+$0x0] =	vst.idx.add.f32.msk $0xffff, v29;
	v43 =	vshll.u32 v19, $0x4;
	v19 =	vtrunc.f32 v24;
	v24 =	vor.u32 v1, v37  }
0x196: {  	v29 =	vtrunc.f32 v41;
	v20 =	vor.u32 v1, v43;
	[tilespmem:v34+s19+$0x0] =	vst.idx.add.f32.msk $0xffff, v23;
	v23 =	vcvt.f32.s32 v61  }
0x197: {  	v21 =	vmul.f32 $1.000000000e+01, v5;
	v22 =	vld [tilespmem:s25+$0xFFFFFFD0];
	v30 =	vnsel vm0, $0x9, v31;
	v31 =	vcvt.f32.s32 v29  }
0x198: {  	v62 =	vtrunc.f32 v33;
	[tilespmem:v35+s20+$0x0] =	vst.idx.add.f32.msk $0xffff, v32;
	v32 =	vnsel vm2, $0x9, v60;
	vm0 =	vlt.s32 v23, $0x9  }
0x199: {  	v29 =	vshll.u32 v30, $0x4;
	[tilespmem:v34+s20+$0x0] =	vst.idx.add.f32.msk $0xffff, v63;
	v23 =	vnsel vm0, $0x9, v23;
	vm0 =	vlt.s32 v31, $0x9  }
0x19a: {  	v23 =	vshll.u32 v23, $0x4;
	[tilespmem:v24+s19+$0x0] =	vst.idx.add.f32.msk $0xffff, v25;
	v25 =	vnsel vm0, $0x9, v31;
	v31 =	vcvt.f32.s32 v38  }
0x19b: {  	v30 =	vcvt.f32.s32 v62;
	v34 =	vcvt.s32.f32 v42;
	[tilespmem:v20+s19+$0x0] =	vst.idx.add.f32.msk $0xffff, v28;
	v28 =	vor.u32 v1, v23  }
0x19c: {  	s29 =	simm.s32 $0x0;
	s28 =	simm.s32 $0x5280;
	v33 =	vshll.u32 v25, $0x4;
	v25 =	vmul.f32 $1.000000000e+01, v6;
	v23 =	vld [tilespmem:s25+$0x30];
	vm1 =	vlt.s32 v31, $0x9  }
.LBB2_10:
0x19d: {  	s29 =	sadd.s32 $0x10, s29;
	v21 =	vtrunc.f32 v21;
	v26 =	vcvt.f32.s32 v26;
	[tilespmem:v24+s20+$0x0] =	vst.idx.add.f32.msk $0xffff, v34;
	v24 =	vnsel vm1, $0x9, v31;
	s25 =	sadd.s32 $0x100, s25;
	s26 =	sadd.s32 $0x100, s26  }
0x19e: {  	v31 =	vor.u32 v1, v33;
	v27 =	vcvt.s32.f32 v27;
	p1 =	slt.u32 s29, $0x270;
	vm0 =	vlt.s32 v30, $0x9;
	v33 =	vld [tilespmem:s28+$0x40]  }
0x19f: {  	v22 =	vcvt.s32.f32 v22;
	v24 =	vshll.u32 v24, $0x4;
	v34 =	vld [tilespmem:s28+$0xFFFFFF90];
	v30 =	vnsel vm0, $0x9, v30  }
0x1a0: {  	v25 =	vtrunc.f32 v25;
	v32 =	vshll.u32 v32, $0x4;
	v29 =	vor.u32 v1, v29;
	v35 =	vld [tilespmem:s28+$0x50]  }
0x1a1: {  	vm0 =	vlt.s32 v26, $0x9;
	[tilespmem:v28+s19+$0x0] =	vst.idx.add.f32.msk $0xffff, v17;
	v17 =	vcvt.f32.s32 v25;
	v25 =	vor.u32 v1, v32  }
0x1a2: {  	v19 =	vcvt.f32.s32 v19;
	v24 =	vor.u32 v1, v24;
	v26 =	vnsel vm0, $0x9, v26;
	[tilespmem:v28+s20+$0x0] =	vst.idx.add.f32.msk $0xffff, v27  }
0x1a3: {  	vm0 =	vlt.s32 v17, $0x9;
	[tilespmem:v20+s20+$0x0] =	vst.idx.add.f32.msk $0xffff, v22;
	v20 =	vcvt.f32.s32 v21;
	v21 =	vshll.u32 v26, $0x4  }
0x1a4: {  	vm1 =	vlt.s32 v19, $0x9;
	[tilespmem:v31+s19+$0x0] =	vst.idx.add.f32.msk $0xffff, v16;
	v16 =	vor.u32 v1, v21  }
0x1a5: {  	v22 =	vcvt.s32.f32 v33;
	v21 =	vshll.u32 v30, $0x4;
	v26 =	vcvt.s32.f32 v35;
	[tilespmem:v29+s19+$0x0] =	vst.idx.add.f32.msk $0xffff, v13  }
0x1a6: {  	v19 =	vnsel vm1, $0x9, v19;
	v13 =	vnsel vm0, $0x9, v17;
	v17 =	vor.u32 v1, v21;
	v21 =	vld [tilespmem:s28+$0x0];
	s28 =	smov.u32 s25  }
0x1a7: {  	v18 =	vcvt.f32.s32 v18;
	v19 =	vshll.u32 v19, $0x4;
	v13 =	vshll.u32 v13, $0x4;
	[tilespmem:v29+s20+$0x0] =	vst.idx.add.f32.msk $0xffff, v26  }
0x1a8: {  	vm0 =	vlt.s32 v20, $0x9;
	v26 =	vcvt.s32.f32 v34;
	[tilespmem:v25+s19+$0x0] =	vst.idx.add.f32.msk $0xffff, v10  }
0x1a9: {  	vm1 =	vlt.s32 v18, $0x9;
	v10 =	vor.u32 v1, v19;
	v19 =	vcvt.s32.f32 v23;
	[tilespmem:v25+s20+$0x0] =	vst.idx.add.f32.msk $0xffff, v22  }
0x1aa: {  	v18 =	vnsel vm1, $0x9, v18;
	v20 =	vnsel vm0, $0x9, v20;
	[tilespmem:v24+s19+$0x0] =	vst.idx.add.f32.msk $0xffff, v8  }
0x1ab: {  	v18 =	vshll.u32 v18, $0x4;
	v8 =	vshll.u32 v20, $0x4;
	v20 =	vcvt.s32.f32 v21;
	[tilespmem:v24+s20+$0x0] =	vst.idx.add.f32.msk $0xffff, v19  }
0x1ac: {  	[tilespmem:v16+s19+$0x0] =	vst.idx.add.f32.msk $0xffff, v9;
	v9 =	vor.u32 v1, v18  }
0x1ad: {  	[tilespmem:v16+s20+$0x0] =	vst.idx.add.f32.msk $0xffff, v20  }
0x1ae: {  	[tilespmem:v17+s19+$0x0] =	vst.idx.add.f32.msk $0xffff, v12;
	v12 =	vcvt.s32.f32 v15  }
0x1af: {  	v13 =	vor.u32 v1, v13;
	[tilespmem:v10+s19+$0x0] =	vst.idx.add.f32.msk $0xffff, v7;
	v7 =	vor.u32 v1, v8  }
0x1b0: {  	[tilespmem:v10+s20+$0x0] =	vst.idx.add.f32.msk $0xffff, v12  }
0x1b1: {  	v8 =	vcvt.s32.f32 v14;
	[tilespmem:v9+s19+$0x0] =	vst.idx.add.f32.msk $0xffff, v4  }
0x1b2: {  	[tilespmem:v31+s20+$0x0] =	vst.idx.add.f32.msk $0xffff, v26  }
0x1b3: {  	v3 =	vcvt.s32.f32 v3;
	[tilespmem:v9+s20+$0x0] =	vst.idx.add.f32.msk $0xffff, v8  }
0x1b4: {  	[tilespmem:v7+s19+$0x0] =	vst.idx.add.f32.msk $0xffff, v5  }
0x1b5: {  	v2 =	vcvt.s32.f32 v2;
	v4 =	vcvt.s32.f32 v11;
	[tilespmem:v7+s20+$0x0] =	vst.idx.add.f32.msk $0xffff, v3  }
0x1b6: {  	[tilespmem:v13+s19+$0x0] =	vst.idx.add.f32.msk $0xffff, v6  }
0x1b7: {  	[tilespmem:v13+s20+$0x0] =	vst.idx.add.f32.msk $0xffff, v2  }
0x1b8: {  	[tilespmem:v17+s20+$0x0] =	vst.idx.add.f32.msk $0xffff, v4  }
0x1b9: {  	v2 =	vld [tilespmem:s25+$0xFFFFFFB0]  }
0x1ba: {  	v3 =	vld [tilespmem:s25+$0xFFFFFFF0]  }
0x1bb: {  	v18 =	vld [tilespmem:s26+$0xFFFFFF80]  }
0x1bc: {  	v20 =	vld [tilespmem:s26+$0x70]  }
0x1bd: {  	v23 =	vld [tilespmem:s26+$0x60]  }
0x1be: {  	v13 =	vld [tilespmem:s26+$0x50]  }
0x1bf: {  	v10 =	vld [tilespmem:s26+$0x40]  }
0x1c0: {  	v5 =	vmul.f32 $1.000000000e+01, v18;
	v8 =	vld [tilespmem:s26+$0x30]  }
0x1c1: {  	v4 =	vld [tilespmem:s26+$0x20];
	v6 =	vmul.f32 $1.000000000e+01, v20  }
0x1c2: {  	v5 =	vtrunc.f32 v5;
	v25 =	vld [tilespmem:s26+$0x10];
	v11 =	vmul.f32 $1.000000000e+01, v23  }
0x1c3: {  	v9 =	vld [tilespmem:s26+$0x0];
	v14 =	vmul.f32 $1.000000000e+01, v13;
	v6 =	vtrunc.f32 v6  }
0x1c4: {  	v12 =	vcvt.f32.s32 v5;
	v5 =	vld [tilespmem:s26+$0xFFFFFFF0];
	v15 =	vmul.f32 $1.000000000e+01, v10  }
0x1c5: {  	v11 =	vtrunc.f32 v11;
	v7 =	vld [tilespmem:s26+$0xFFFFFFE0];
	v19 =	vmul.f32 $1.000000000e+01, v8  }
0x1c6: {  	vm0 =	vlt.s32 v12, $0x9;
	v11 =	vcvt.f32.s32 v11;
	v28 =	vld [tilespmem:s26+$0xFFFFFFD0];
	v26 =	vmul.f32 $1.000000000e+01, v4  }
0x1c7: {  	v22 =	vcvt.f32.s32 v6;
	v16 =	vnsel vm0, $0x9, v12;
	v12 =	vld [tilespmem:s26+$0xFFFFFFC0];
	v21 =	vmul.f32 $1.000000000e+01, v25  }
0x1c8: {  	v24 =	vshll.u32 v16, $0x4;
	vm0 =	vlt.s32 v11, $0x9;
	v6 =	vld [tilespmem:s26+$0xFFFFFFB0];
	v27 =	vmul.f32 $1.000000000e+01, v9  }
0x1c9: {  	v29 =	vtrunc.f32 v15;
	vm1 =	vlt.s32 v22, $0x9;
	v17 =	vld [tilespmem:s26+$0xFFFFFFA0];
	v21 =	vtrunc.f32 v21  }
0x1ca: {  	v22 =	vnsel vm1, $0x9, v22;
	v15 =	vnsel vm0, $0x9, v11;
	v16 =	vld [tilespmem:s26+$0xFFFFFF90];
	v21 =	vcvt.f32.s32 v21  }
0x1cb: {  	v30 =	vor.u32 v1, v24;
	v22 =	vshll.u32 v22, $0x4;
	v11 =	vld [tilespmem:s25+$0xFFFFFFC0];
	v24 =	vmul.f32 $1.000000000e+01, v28  }
0x1cc: {  	v31 =	vtrunc.f32 v14;
	v35 =	vor.u32 v1, v22;
	vm0 =	vlt.s32 v21, $0x9;
	v32 =	vld [tilespmem:s25+$0x70]  }
0x1cd: {  	v33 =	vmul.f32 $1.000000000e+01, v12;
	v22 =	vtrunc.f32 v24;
	v14 =	vld [tilespmem:s25+$0x20];
	v24 =	vshll.u32 v15, $0x4  }
0x1ce: {  	v21 =	vnsel vm0, $0x9, v21;
	v22 =	vcvt.f32.s32 v22;
	v15 =	vld [tilespmem:s25+$0xFFFFFFE0];
	v34 =	vor.u32 v1, v24  }
0x1cf: {  	v38 =	vtrunc.f32 v19;
	v24 =	vmul.f32 $1.000000000e+01, v7;
	v37 =	vshll.u32 v21, $0x4;
	v36 =	vld [tilespmem:s25+$0xFFFFFF80]  }
0x1d0: {  	v31 =	vcvt.f32.s32 v31;
	v39 =	vmul.f32 $1.000000000e+01, v17;
	vm0 =	vlt.s32 v22, $0x9;
	v40 =	vld [tilespmem:s25+$0x60]  }
0x1d1: {  	v21 =	vmul.f32 $1.000000000e+01, v5;
	v41 =	vmul.f32 $1.000000000e+01, v16;
	v19 =	vnsel vm0, $0x9, v22;
	v42 =	vld [tilespmem:s25+$0x10]  }
0x1d2: {  	vm1 =	vlt.s32 v31, $0x9;
	v43 =	vshll.u32 v19, $0x4;
	v19 =	vtrunc.f32 v24;
	[tilespmem:v35+s19+$0x0] =	vst.idx.add.f32.msk $0xffff, v20  }
0x1d3: {  	v24 =	vor.u32 v1, v37;
	v37 =	vcvt.f32.s32 v29;
	v22 =	vld [tilespmem:s25+$0xFFFFFFD0];
	v20 =	vor.u32 v1, v43  }
0x1d4: {  	v29 =	vcvt.s32.f32 v36;
	v36 =	vtrunc.f32 v39;
	[tilespmem:v34+s19+$0x0] =	vst.idx.add.f32.msk $0xffff, v23  }
0x1d5: {  	vm0 =	vlt.s32 v37, $0x9;
	[tilespmem:v30+s19+$0x0] =	vst.idx.add.f32.msk $0xffff, v18;
	v23 =	vcvt.f32.s32 v36;
	v18 =	vtrunc.f32 v26  }
0x1d6: {  	v26 =	vtrunc.f32 v27;
	[tilespmem:v30+s20+$0x0] =	vst.idx.add.f32.msk $0xffff, v29;
	v29 =	vtrunc.f32 v41;
	v30 =	vnsel vm1, $0x9, v31  }
0x1d7: {  	v32 =	vcvt.s32.f32 v32;
	v31 =	vcvt.f32.s32 v29;
	v27 =	vld [tilespmem:s25+$0xFFFFFFA0];
	vm1 =	vlt.s32 v23, $0x9  }
.Ltmp4:
0x1d8: {  	v36 =	vtrunc.f32 v33;
	v33 =	vcvt.s32.f32 v40;
	v23 =	vnsel vm1, $0x9, v23;
	[tilespmem:v20+s19+$0x0] =	vst.idx.add.f32.msk $0xffff, v28;
	(pc) =	sbr.rel @p1 .LBB2_10-.Ltmp4, $4  }
0x1d9: {  	v29 =	vshll.u32 v30, $0x4;
	vm1 =	vlt.s32 v31, $0x9;
	v23 =	vshll.u32 v23, $0x4;
	[tilespmem:v24+s19+$0x0] =	vst.idx.add.f32.msk $0xffff, v25  }
0x1da: {  	v25 =	vnsel vm1, $0x9, v31;
	v28 =	vor.u32 v1, v23;
	v31 =	vcvt.f32.s32 v38;
	[tilespmem:v34+s20+$0x0] =	vst.idx.add.f32.msk $0xffff, v33  }
0x1db: {  	v34 =	vcvt.s32.f32 v42;
	v33 =	vshll.u32 v25, $0x4;
	v25 =	vmul.f32 $1.000000000e+01, v6;
	[tilespmem:v35+s20+$0x0] =	vst.idx.add.f32.msk $0xffff, v32  }
0x1dc: {  	s30 =	simm.s32 $0x0;
	v30 =	vcvt.f32.s32 v36;
	v32 =	vnsel vm0, $0x9, v37;
	v23 =	vld [tilespmem:s25+$0x30];
	vm1 =	vlt.s32 v31, $0x9  }
0x1dd: {  	_ =	sdelay $0x3  }
0x1de: {  	[tilespmem:v24+s20+$0x0] =	vst.idx.add.f32.msk $0xffff, v34  }
0x1df: {  	v43 =	vld [tilespmem:s28+$0x40]  }
0x1e0: {  	v44 =	vld [tilespmem:s28+$0x50]  }
0x1e1: {  	v33 =	vor.u32 v1, v33;
	[tilespmem:v28+s19+$0x0] =	vst.idx.add.f32.msk $0xffff, v17  }
0x1e2: {  	v27 =	vcvt.s32.f32 v27;
	v29 =	vor.u32 v1, v29;
	v46 =	vld [tilespmem:s28+$0xFFFFFF90];
	v32 =	vshll.u32 v32, $0x4  }
0x1e3: {  	v45 =	vcvt.f32.s32 v26;
	v22 =	vcvt.s32.f32 v22;
	v52 =	vld [tilespmem:s28+$0x0];
	v47 =	vor.u32 v1, v32  }
0x1e4: {  	v31 =	vnsel vm1, $0x9, v31;
	v19 =	vcvt.f32.s32 v19;
	v18 =	vcvt.f32.s32 v18;
	[tilespmem:v28+s20+$0x0] =	vst.idx.add.f32.msk $0xffff, v27  }
0x1e5: {  	v53 =	vtrunc.f32 v21;
	vm0 =	vlt.s32 v30, $0x9;
	v48 =	vshll.u32 v31, $0x4;
	[tilespmem:v20+s20+$0x0] =	vst.idx.add.f32.msk $0xffff, v22  }
0x1e6: {  	vm11 =	vlt.s32 v45, $0x9;
	v49 =	vor.u32 v1, v48;
	v51 =	vnsel vm0, $0x9, v30;
	[tilespmem:v33+s19+$0x0] =	vst.idx.add.f32.msk $0xffff, v16  }
0x1e7: {  	vm13 =	vlt.s32 v18, $0x9;
	v17 =	vnsel vm11, $0x9, v45;
	v50 =	vcvt.s32.f32 v44;
	[tilespmem:v29+s19+$0x0] =	vst.idx.add.f32.msk $0xffff, v13  }
0x1e8: {  	v18 =	vnsel vm13, $0x9, v18;
	v17 =	vshll.u32 v17, $0x4;
	v24 =	vcvt.s32.f32 v43;
	[tilespmem:v47+s19+$0x0] =	vst.idx.add.f32.msk $0xffff, v10  }
0x1e9: {  	vm12 =	vlt.s32 v19, $0x9;
	v18 =	vshll.u32 v18, $0x4;
	v17 =	vor.u32 v1, v17;
	[tilespmem:v29+s20+$0x0] =	vst.idx.add.f32.msk $0xffff, v50  }
0x1ea: {  	v20 =	vcvt.f32.s32 v53;
	v58 =	vor.u32 v1, v18;
	v62 =	vcvt.s32.f32 v46;
	[tilespmem:v47+s20+$0x0] =	vst.idx.add.f32.msk $0xffff, v24  }
0x1eb: {  	v19 =	vnsel vm12, $0x9, v19;
	v55 =	vcvt.s32.f32 v23;
	v13 =	vshll.u32 v51, $0x4;
	[tilespmem:v49+s19+$0x0] =	vst.idx.add.f32.msk $0xffff, v8  }
0x1ec: {  	v54 =	vshll.u32 v19, $0x4;
	vm14 =	vlt.s32 v20, $0x9;
	v13 =	vor.u32 v1, v13;
	[tilespmem:v33+s20+$0x0] =	vst.idx.add.f32.msk $0xffff, v62  }
0x1ed: {  	v56 =	vtrunc.f32 v25;
	v59 =	vnsel vm14, $0x9, v20;
	v10 =	vor.u32 v1, v54;
	[tilespmem:v49+s20+$0x0] =	vst.idx.add.f32.msk $0xffff, v55  }
0x1ee: {  	v57 =	vcvt.s32.f32 v52;
	v16 =	vshll.u32 v59, $0x4;
	v8 =	vcvt.f32.s32 v56;
	[tilespmem:v17+s19+$0x0] =	vst.idx.add.f32.msk $0xffff, v9  }
0x1ef: {  	v61 =	vor.u32 v1, v16;
	[tilespmem:v58+s19+$0x0] =	vst.idx.add.f32.msk $0xffff, v4  }
0x1f0: {  	vm15 =	vlt.s32 v8, $0x9;
	[tilespmem:v17+s20+$0x0] =	vst.idx.add.f32.msk $0xffff, v57  }
0x1f1: {  	v63 =	vcvt.s32.f32 v14;
	v8 =	vnsel vm15, $0x9, v8;
	[tilespmem:v13+s19+$0x0] =	vst.idx.add.f32.msk $0xffff, v12  }
0x1f2: {  	[tilespmem:v10+s19+$0x0] =	vst.idx.add.f32.msk $0xffff, v7;
	v8 =	vshll.u32 v8, $0x4  }
0x1f3: {  	v3 =	vcvt.s32.f32 v3;
	[tilespmem:v58+s20+$0x0] =	vst.idx.add.f32.msk $0xffff, v63;
	v8 =	vor.u32 v1, v8  }
0x1f4: {  	v60 =	vcvt.s32.f32 v15;
	[tilespmem:v61+s19+$0x0] =	vst.idx.add.f32.msk $0xffff, v5  }
0x1f5: {  	[tilespmem:v61+s20+$0x0] =	vst.idx.add.f32.msk $0xffff, v3;
	v3 =	vcvt.s32.f32 v11  }
0x1f6: {  	[tilespmem:v10+s20+$0x0] =	vst.idx.add.f32.msk $0xffff, v60  }
0x1f7: {  	v2 =	vcvt.s32.f32 v2;
	[tilespmem:v13+s20+$0x0] =	vst.idx.add.f32.msk $0xffff, v3  }
0x1f8: {  	[tilespmem:v8+s19+$0x0] =	vst.idx.add.f32.msk $0xffff, v6  }
0x1f9: {  	[tilespmem:v8+s20+$0x0] =	vst.idx.add.f32.msk $0xffff, v2  }
.LBB2_12:
0x1fa: {  	s25 =	sshra.s32 s30, $0x2  }
0x1fb: {  	v2 =	vld [tilespmem:s25+$0x2800];
	_ =	sdelay $0x4  }
0x1fc: {  	v3 =	vmul.f32 $1.000000000e+01, v2;
	_ =	sdelay $0x1  }
0x1fd: {  	v3 =	vtrunc.f32 v3  }
0x1fe: {  	v3 =	vcvt.f32.s32 v3;
	_ =	sdelay $0x1  }
0x1ff: {  	vm0 =	vlt.s32 v3, $0x9  }
0x200: {  	v3 =	vnsel vm0, $0x9, v3  }
0x201: {  	v4 =	vld [tilespmem:s25+$0x7A00];
	v3 =	vshll.u32 v3, $0x4  }
0x202: {  	v3 =	vor.u32 v1, v3  }
0x203: {  	p1 =	sne.s32 s30, $0x280  }
.Ltmp5:
0x204: {  	_ = 	snop;
	(pc) =	sbr.rel @p1 .LBB2_12-.Ltmp5, $4  }
0x205: {  	_ = 	snop  }
0x206: {  	v4 =	vcvt.s32.f32 v4  }
0x207: {  	[tilespmem:v3+s19+$0x0] =	vst.idx.add.f32.msk $0xffff, v2  }
0x208: {  	s30 =	sadd.s32 $0x40, s30;
	[tilespmem:v3+s20+$0x0] =	vst.idx.add.f32.msk $0xffff, v4  }
0x209: {  	s25 =	simm.s32 @!p0 $0x0;
	s26 =	simm.s32 @!p0 $0xA400  }
0x20a: {  	[tilespmem:s26], [sflag:$0x5] =	stream.linear.gather @!p0 [hbm4b:s9+s25], $0x10, $0x38;
	[tilespmem:$0xA700] =	vst v63  }
0x20b: {  	s26 =	simm.s32 @!p0 $0x5  }
0x20c: {  	_ =	swait.ge @!p0 [sflag:s26], $0x10  }
0x20d: {  	[sflag:s26] =	ssyncset.done @!p0 $0x0  }
0x20e: {  	s28 =	simm.s32 @!p0 $0xA480;
	[sflag:s26] =	ssyncadd.s32 @!p0 $0xFFFFFFF0  }
0x20f: {  	[tilespmem:s28], [sflag:$0x5] =	stream.linear.gather @!p0 [hbm4b:s10+s25], $0x10, $0x38;
	[tilespmem:$0xA700] =	vst v63  }
0x210: {  	_ =	swait.ge @!p0 [sflag:s26], $0x10  }
0x211: {  	[sflag:s26] =	ssyncset.done @!p0 $0x0  }
0x212: {  	[sflag:s26] =	ssyncadd.s32 @!p0 $0xFFFFFFF0  }
0x213: {  	v2 =	vld @!p0 [tilespmem:$0xA400];
	_ =	sdelay $0x4  }
0x214: {  	v3 =	vmul.f32 @!p0 $1.000000000e+01, v2;
	_ =	sdelay $0x1  }
0x215: {  	v3 =	vtrunc.f32 @!p0 v3  }
0x216: {  	v3 =	vcvt.f32.s32 @!p0 v3;
	_ =	sdelay $0x1  }
0x217: {  	vm0 =	vlt.s32 @!p0 v3, $0x9  }
0x218: {  	v3 =	vnsel @!p0 vm0, $0x9, v3  }
0x219: {  	v5 =	vlaneseq.u32 @!p0;
	v4 =	vld @!p0 [tilespmem:$0xA480];
	v3 =	vshll.u32 @!p0 v3, $0x4  }
0x21a: {  	v3 =	vor.u32 @!p0 v5, v3;
	_ =	sdelay $0x3  }
0x21b: {  	s25 =	simm.s32 @!p0 $0xA500;
	v4 =	vcvt.s32.f32 @!p0 v4  }
0x21c: {  	[tilespmem:v3+s25+$0x0] =	vst.idx.add.f32.msk @!p0 $0xffff, v2;
	s25 =	simm.s32 @!p0 $0xA600  }
0x21d: {  	[tilespmem:v3+s25+$0x0] =	vst.idx.add.f32.msk @!p0 $0xffff, v4  }
0x21e: {  	[hbm4b:s11+s2] =	stream.linear.scatter [tilespmem:s19], [sflag:$0x5], $0x100, $0x38;
	[tilespmem:$0xA700] =	vst v63  }
0x21f: {  	s24 =	sadd.s32 $0x1, s24;
	_ =	swait.ge [sflag:s23], $0x100  }
0x220: {  	p1 =	sne.s32 s24, s13;
	[sflag:s23] =	ssyncset.done $0x0  }
.Ltmp6:
0x221: {  	[sflag:s23] =	ssyncadd.s32 $0xFFFFFF00;
	(pc) =	sbr.rel @p1 .LBB2_1-.Ltmp6, $4  }
0x222: {  	[hbm4b:s12+s2] =	stream.linear.scatter [tilespmem:s20], [sflag:$0x5], $0x100, $0x38;
	[tilespmem:$0xA700] =	vst v63  }
0x223: {  	_ =	swait.ge [sflag:s23], $0x100  }
0x224: {  	[sflag:s23] =	ssyncset.done $0x0  }
0x225: {  	[sflag:s23] =	ssyncadd.s32 $0xFFFFFF00  }
0x226: {  	_ =	sfence.sel $0x180000  }
0x227: {  	[bflag:$0x0] =	sbarrier.arrive $0xFFFF  }
0x228: {  	p0 =	sne.s32 s0, $0x0;
	_ =	strace $0x90000047  }
0x229: {  	s0 =	sadd.s32 @!p0 $0x100000, s1;
	[bflag:$0x2] =	sbarrier.arrive $0xFFFF  }
0x22a: {  	[sflag:s0] =	ssyncadd.tile.s32 @!p0 $0x1;
	_ =	shalt  }
.Lfunc_end2:
_tile_overlayer_lowered:
.L_overlay_start_2:
0x22b: {  	(tag) =	ssettag $0x2  }
0x22c: {  	s0 =	rddreg [dreg:$0x0];
	s2 =	stileid.u32  }
0x22d: {  	s1 =	rddreg [dreg:$0x1];
	p0 =	sne.s32 s2, $0x0  }
0x22e: {  	s3 =	rddreg [dreg:$0x2];
	[bflag:$0x3] =	sbarrier.arrive $0xFFFF;
	s2 =	simm.s32 @!p0 $0x1C05  }
0x22f: {  	[timem:s3], [sflag:s2] =	dma.local @!p0 [hbm:s0], s1  }
0x230: {  	s0 =	simm.s32 @!p0 $0x5  }
0x231: {  	_ =	swait.ge @!p0 [sflag:s0], s1  }
0x232: {  	s1 =	ssub.s32 @!p0 $0x0, s1;
	[sflag:s0] =	ssyncset.done @!p0 $0x0  }
0x233: {  	[sflag:s0] =	ssyncadd.s32 @!p0 s1  }
0x234: {  	[bflag:$0x3] =	sbarrier.arrive $0xFFFF  }
0x235: {  	_ =	shalt  }

</sc_bundles>
